<compile_context>
chip_gen: v7x
topology: tpu7x:2x2x1
jax: 0.10.2.dev20260603
libtpu: 0.0.44.dev20260713+nightly
codegen_flags: <defaults>
</compile_context>

<pallas_src>
import math

import functools

import jax
import jax.numpy as jnp
from jax import lax
from jax.experimental import pallas as pl
from jax.experimental.pallas import tpu as pltpu
from jax.experimental.pallas import tpu_sc as plsc

CONTRAST = 3.38589
SQRT2 = math.sqrt(2.0)
B, C, H_IN, W_IN = 2, 3, 384, 384
H_OUT, W_OUT = 384, 384
P = H_OUT * W_OUT
WR = 3
H_PAD = H_IN + 2 * WR + 1
W_PAD = W_IN + 2 * WR + 1
K = H_PAD * W_PAD

_SIG1 = math.tanh(0.5 * CONTRAST * 0.5)
_A3 = -3.0
_A2 = (45739.0 + 7164.0 * SQRT2) / 10319.0
_A0 = (-8926.0 - 14328.0 * SQRT2) / 10319.0
_MIR = (-103.0 - 36.0 * SQRT2) / (7.0 + 72.0 * SQRT2)

PT = 1024


def _inverse_sigmoid(q):
    sig0 = -_SIG1
    slope = (1.0 / _SIG1 + sig0) * 0.25 * CONTRAST
    oos = 1.0 / slope
    res_low = q * oos
    res_high = q * oos + (1.0 - oos)
    ssq = jnp.clip(2.0 * _SIG1 * q + sig0, -0.999999, 0.999999)
    res_mid = (2.0 / CONTRAST) * (0.5 * jnp.log((1.0 + ssq) / (1.0 - ssq))) + 0.5
    return jnp.where(q <= 0.0, res_low, jnp.where(q >= 1.0, res_high, res_mid))


def _extended_sigmoid(q):
    slope = (1.0 / _SIG1 - _SIG1) * 0.25 * CONTRAST
    res_low = slope * q
    res_high = slope * q + (1.0 - slope)
    res_mid = 0.5 / _SIG1 * jnp.tanh(0.5 * CONTRAST * q - 0.25 * CONTRAST) + 0.5
    return jnp.where(q <= 0.0, res_low, jnp.where(q >= 1.0, res_high, res_mid))


def _mitchell(x):
    ax = jnp.abs(x)
    ax2 = ax * ax
    ax3 = ax2 * ax
    v1 = (7.0 / 6.0) * ax3 - 2.0 * ax2 + 8.0 / 9.0
    v2 = (-7.0 / 18.0) * ax3 + 2.0 * ax2 - (10.0 / 3.0) * ax + 16.0 / 9.0
    m1 = (ax < 1.0).astype(x.dtype)
    m2 = ((ax >= 1.0) & (ax < 2.0)).astype(x.dtype)
    return v1 * m1 + v2 * m2


def _pack_body(x_ref, o_ref):
    x = x_ref[...]
    s = _inverse_sigmoid(x)
    ru = lax.bitcast_convert_type(x.astype(jnp.bfloat16), jnp.uint16)
    su = lax.bitcast_convert_type(s.astype(jnp.bfloat16), jnp.uint16)
    o_ref[...] = (ru.astype(jnp.uint32) << 16) | su.astype(jnp.uint32)


def _pack_planes(img_pad):
    return pl.pallas_call(
        _pack_body,
        grid=(B, C),
        in_specs=[pl.BlockSpec((1, 1, H_PAD, W_PAD), lambda b, c: (b, c, 0, 0))],
        out_specs=pl.BlockSpec((1, 1, H_PAD, W_PAD), lambda b, c: (b, c, 0, 0)),
        out_shape=jax.ShapeDtypeStruct((B, C, H_PAD, W_PAD), jnp.uint32),
    )(img_pad)


NRG = B * P
NW = 32
GPW = NRG // NW
IDXR_PW = GPW // 128
SUBG = 4
CH = SUBG * 128
NCHUNK = GPW // CH


def _gather_body(tab_hbm, idx_hbm, out_hbm, idx_v, rows_v, sem):
    wid = lax.axis_index("s") * 2 + lax.axis_index("c")
    pltpu.sync_copy(idx_hbm.at[pl.ds(wid * IDXR_PW, IDXR_PW)], idx_v)

    def chunk(ci, carry):
        cops = [
            pltpu.async_copy(tab_hbm.at[idx_v.at[ci * SUBG + i]],
                             rows_v.at[pl.ds(i * 128, 128)], sem)
            for i in range(SUBG)
        ]
        for cp in cops:
            cp.wait()
        pltpu.sync_copy(
            rows_v, out_hbm.at[pl.ds(wid * GPW + ci * CH, CH)])
        return carry

    lax.fori_loop(0, NCHUNK, chunk, 0)


@functools.lru_cache(maxsize=None)
def _make_sc_gather():
    return pl.kernel(
        _gather_body,
        out_type=jax.ShapeDtypeStruct((NRG, 128), jnp.uint32),
        mesh=plsc.VectorSubcoreMesh(core_axis_name="c", subcore_axis_name="s"),
        scratch_types=[
            pltpu.VMEM((IDXR_PW, 128), jnp.int32),
            pltpu.VMEM((CH, 128), jnp.uint32),
            pltpu.SemaphoreType.DMA,
        ],
    )


def _sc_gather(tab, idx):
    return _make_sc_gather()(tab, idx)


KP = 153088


def _transp_body(x_ref, o_ref):
    o_ref[0] = jnp.transpose(x_ref[0])


def _transp(x):
    return pl.pallas_call(
        _transp_body,
        grid=(B, KP // 512),
        in_specs=[pl.BlockSpec((1, 128, 512), lambda b, i: (b, 0, i))],
        out_specs=pl.BlockSpec((1, 512, 128), lambda b, i: (b, i, 0)),
        out_shape=jax.ShapeDtypeStruct((B, KP, 128), jnp.uint32),
    )(x)


PTA = 2048


def _wprep_body(e_ref, o_ref):
    f32 = jnp.float32
    e = e_ref[0]
    j00 = e[0:1]
    j01 = e[1:2]
    j10 = e[2:3]
    j11 = e[3:4]
    fx = e[4:5]
    fy = e[5:6]

    det = j00 * j11 - j01 * j10 + 1e-8
    a = j11 / det
    b = -j01 / det
    c = -j10 / det
    d = j00 / det
    n11 = a * a + b * b
    n12 = a * c + b * d
    n22 = c * c + d * d
    frob = n11 + n22
    disc = frob * frob - 4.0 / (det * det)
    sq = jnp.sqrt(jnp.maximum(disc, 0.0))
    s1 = 0.5 * (frob + sq)
    major = jnp.sqrt(jnp.maximum(s1, 1.0))
    minor = jnp.sqrt(jnp.maximum(0.5 * (frob - sq), 1.0))
    d1 = s1 - n11
    d2 = s1 - n22
    cond = d1 * d1 >= d2 * d2
    t11 = jnp.where(cond, n12, d2)
    t21 = jnp.where(cond, d1, n12)
    norm = jnp.sqrt(t11 * t11 + t21 * t21)
    pos = norm > 0.0
    sn = jnp.where(pos, norm, 1.0)
    u11 = jnp.where(pos, t11 / sn, 1.0)
    u21 = jnp.where(pos, t21 / sn, 0.0)
    cmx = u11 / major
    cmy = u21 / major
    cnx = -u21 / minor
    cny = u11 / minor
    theta = 1.0 / (major * minor)
    need = ((frob + sq) > 2.0).astype(f32)

    mx = [_mitchell(fx - (xs - 2.0)) for xs in range(7)]
    my = [_mitchell(fy - (dy - 2.0)) for dy in range(6)]
    zero = jnp.zeros_like(fx)
    o_ref[0] = jnp.concatenate(
        mx + my + [cmx, cmy, cnx, cny, fx, fy, theta, need,
                   zero, zero, zero], axis=0)


def _wprep(e2):
    return pl.pallas_call(
        _wprep_body,
        grid=(B, P // PTA),
        in_specs=[pl.BlockSpec((1, 6, PTA), lambda b, i: (b, 0, i))],
        out_specs=pl.BlockSpec((1, 24, PTA), lambda b, i: (b, 0, i)),
        out_shape=jax.ShapeDtypeStruct((B, 24, P), jnp.float32),
    )(e2)


def _taps_body(g_ref, w_ref, o_ref):
    f32 = jnp.float32
    lane = lax.broadcasted_iota(jnp.int32, (1, 128), 1)
    xsl = (lane % 21) // 3
    oxl = (xsl - 2).astype(f32)
    oyl = ((lane // 21) - 2).astype(f32)

    g = g_ref[0]
    raw = lax.bitcast_convert_type(g & jnp.uint32(0xFFFF0000), f32)
    sig = lax.bitcast_convert_type(g << 16, f32)

    wt = jnp.transpose(w_ref[0])
    xtake = xsl
    ytake = jnp.minimum(lane // 21, 5) + 7
    mx_e = jnp.take_along_axis(wt, jnp.broadcast_to(xtake, wt.shape[:1] + (128,)), axis=1)
    my_e = jnp.take_along_axis(wt, jnp.broadcast_to(ytake, wt.shape[:1] + (128,)), axis=1)
    wm = mx_e * my_e
    cmx = wt[:, 13:14]
    cmy = wt[:, 14:15]
    cnx = wt[:, 15:16]
    cny = wt[:, 16:17]
    fx = wt[:, 17:18]
    fy = wt[:, 18:19]

    rel_x = fx - oxl
    rel_y = fy - oyl
    q1 = rel_x * cmx + rel_y * cmy
    q2 = rel_x * cnx + rel_y * cny
    r2 = q1 * q1 + q2 * q2
    r = jnp.sqrt(r2 + 1e-8)
    w_in = r2 * (_A3 * r + _A2) + _A0
    w_out = (r + _MIR) * (r - 2.0) * (r - 2.0)
    we = (w_in * (r2 < 1.0).astype(f32)
          + w_out * ((r2 >= 1.0) & (r2 < 4.0)).astype(f32))

    pm = sig * wm
    pe = raw * we

    ri = lax.broadcasted_iota(jnp.int32, (128, 8), 0)
    ci = lax.broadcasted_iota(jnp.int32, (128, 8), 1)
    ch_r = ri % 3
    xs_r = (ri % 21) // 3
    val_r = (ri < 126) & (xs_r < 6)
    m1 = ((ci < 3) & (ch_r == ci) & val_r).astype(f32)
    m2 = ((ci >= 3) & (ci < 6) & (ch_r == ci - 3) & val_r).astype(f32)
    m3 = ((ci == 6) & (ch_r == 0) & val_r).astype(f32)
    out = (jnp.dot(pm, m1, preferred_element_type=f32)
           + jnp.dot(pe, m2, preferred_element_type=f32)
           + jnp.dot(we, m3, preferred_element_type=f32))
    o_ref[0] = out


def _taps(g, w):
    return pl.pallas_call(
        _taps_body,
        grid=(B, P // PT),
        in_specs=[
            pl.BlockSpec((1, PT, 128), lambda b, i: (b, i, 0)),
            pl.BlockSpec((1, 24, PT), lambda b, i: (b, 0, i)),
        ],
        out_specs=pl.BlockSpec((1, PT, 8), lambda b, i: (b, i, 0)),
        out_shape=jax.ShapeDtypeStruct((B, P, 8), jnp.float32),
    )(g, w)


def _final_body(w_ref, s_ref, o_ref):
    theta = w_ref[0, 3:4]
    need = w_ref[0, 4:5]
    msum = s_ref[0, 0:3]
    esum = s_ref[0, 3:6]
    wsum = s_ref[0, 6:7] + 1e-8
    mv = _extended_sigmoid(msum)
    ev = esum / wsum
    bl = theta * mv + (1.0 - theta) * ev
    o_ref[0] = jnp.where(need > 0.5, bl, mv)


def _final(w, st):
    return pl.pallas_call(
        _final_body,
        grid=(B, P // PTA),
        in_specs=[
            pl.BlockSpec((1, 8, PTA), lambda b, i: (b, 2, i)),
            pl.BlockSpec((1, 8, PTA), lambda b, i: (b, 0, i)),
        ],
        out_specs=pl.BlockSpec((1, 3, PTA), lambda b, i: (b, 0, i)),
        out_shape=jax.ShapeDtypeStruct((B, 3, P), jnp.float32),
    )(w, st)


def kernel(image, grid):
    f32 = jnp.float32
    img_pad = jnp.pad(image, ((0, 0), (0, 0), (WR, WR + 1), (WR, WR + 1)),
                      mode="edge")
    vpk = _pack_planes(img_pad)

    flat = vpk.reshape(B, C, K)
    flatp = jnp.pad(flat, ((0, 0), (0, 0), (0, KP - K + 6 * W_PAD + 7)))
    tabt = jnp.stack([flatp[:, :, dy * W_PAD + xs: dy * W_PAD + xs + KP]
                      for dy in range(6) for xs in range(7)], axis=1)
    tabt = tabt.reshape(B, 126, KP)
    tabt = jnp.concatenate([tabt, jnp.zeros((B, 2, KP), jnp.uint32)], axis=1)
    tab = _transp(tabt)

    gx = grid[..., 0].reshape(B, P)
    gy = grid[..., 1].reshape(B, P)
    ix = jnp.clip(jnp.floor(gx).astype(jnp.int32), 0, W_IN - 2)
    iy = jnp.clip(jnp.floor(gy).astype(jnp.int32), 0, H_IN - 2)
    fx = gx - (ix.astype(f32) + 0.5)
    fy = gy - (iy.astype(f32) + 0.5)
    base = (iy + 1) * W_PAD + (ix + 1)

    gpx = jnp.pad(grid, ((0, 0), (0, 0), (1, 1), (0, 0)), mode="edge")
    dx = (gpx[:, :, 2:, :] - gpx[:, :, :-2, :]) * 0.5
    gpy = jnp.pad(grid, ((0, 0), (1, 1), (0, 0), (0, 0)), mode="edge")
    dy = (gpy[:, 2:, :, :] - gpy[:, :-2, :, :]) * 0.5
    e2 = jnp.stack([
        dx[..., 0].reshape(B, P), dy[..., 0].reshape(B, P),
        dx[..., 1].reshape(B, P), dy[..., 1].reshape(B, P),
        fx, fy,
    ], axis=1)

    idx = base + (jnp.arange(B, dtype=jnp.int32) * KP)[:, None]
    g = _sc_gather(tab.reshape(B * KP, 128), idx.reshape(NRG // 128, 128))
    g = g.reshape(B, P, 128)

    w = _wprep(e2)
    st = _taps(g, w)
    out = _final(w, st.transpose(0, 2, 1))
    return out.reshape(B, C, H_OUT, W_OUT)

# --- scband reference (transcript-rebuilt; emitter-appended) ---
"""Pipeline reference for scband-lohalo-basic-sampler-57208964383228 (READ-ONLY COPY).

The authoritative reference and input builder live on the scoring server;
editing this copy changes nothing except your own understanding.
"""

import math
import jax
import jax.numpy as jnp
import numpy as np

CONTRAST = 3.38589
SQRT2 = math.sqrt(2.0)
B, C, H_IN, W_IN = 2, 3, 384, 384
H_OUT, W_OUT = 384, 384


def inverse_sigmoid(q):
    sig1 = math.tanh(0.5 * CONTRAST * 0.5)
    sig0 = -sig1
    slope = (1.0 / sig1 + sig0) * 0.25 * CONTRAST
    one_over_slope = 1.0 / slope
    mask_low = (q <= 0.0).astype(q.dtype)
    mask_high = (q >= 1.0).astype(q.dtype)
    mask_mid = 1.0 - mask_low - mask_high
    res_low = q * one_over_slope
    res_high = q * one_over_slope + (1.0 - one_over_slope)
    ssq = jnp.clip(2.0 * sig1 * q + sig0, -0.999999, 0.999999)
    res_mid = 2.0 / CONTRAST * jnp.arctanh(ssq) + 0.5
    return res_low * mask_low + res_high * mask_high + res_mid * mask_mid


def extended_sigmoid(q):
    sig1 = math.tanh(0.5 * CONTRAST * 0.5)
    slope = (1.0 / sig1 - sig1) * 0.25 * CONTRAST
    mask_low = (q <= 0.0).astype(q.dtype)
    mask_high = (q >= 1.0).astype(q.dtype)
    mask_mid = 1.0 - mask_low - mask_high
    slope_times_q = slope * q
    res_low = slope_times_q
    res_high = slope_times_q + (1.0 - slope)
    arg = 0.5 * CONTRAST * q + -0.25 * CONTRAST
    res_mid = 0.5 / sig1 * jnp.tanh(arg) + 0.5
    return res_low * mask_low + res_high * mask_high + res_mid * mask_mid


def robidoux_weight(r2):
    a3 = -3.0
    a2 = (45739.0 + 7164.0 * SQRT2) / 10319.0
    a0 = (-8926.0 - 14328.0 * SQRT2) / 10319.0
    minus_inner_root = (-103.0 - 36.0 * SQRT2) / (7.0 + 72.0 * SQRT2)
    minus_outer_root = -2.0
    r = jnp.sqrt(r2 + 1e-08)
    mask_inner = (r2 < 1.0).astype(r2.dtype)
    mask_outer = ((r2 >= 1.0) & (r2 < 4.0)).astype(r2.dtype)
    w_inner = r2 * (a3 * r + a2) + a0
    w_outer = (r + minus_inner_root) * (r + minus_outer_root) ** 2
    return w_inner * mask_inner + w_outer * mask_outer


def mitchell_kernel(x):
    ax = jnp.abs(x)
    mask1 = (ax < 1.0).astype(x.dtype)
    mask2 = ((ax >= 1.0) & (ax < 2.0)).astype(x.dtype)
    v1 = 7.0 / 6.0 * ax ** 3 - 2.0 * ax ** 2 + 8.0 / 9.0
    v2 = -7.0 / 18.0 * ax ** 3 + 2.0 * ax ** 2 - 10.0 / 3.0 * ax + 16.0 / 9.0
    return v1 * mask1 + v2 * mask2


def get_jacobian(grid):
    gpx = jnp.pad(grid, ((0, 0), (0, 0), (1, 1), (0, 0)), mode='edge')
    dx = (gpx[:, :, 2:, :] - gpx[:, :, :-2, :]) * 0.5
    gpy = jnp.pad(grid, ((0, 0), (1, 1), (0, 0), (0, 0)), mode='edge')
    dy = (gpy[:, 2:, :, :] - gpy[:, :-2, :, :]) * 0.5
    return jnp.concatenate([dx[..., None], dy[..., None]], axis=-1)


def _forward(image, grid):
    Bn, Cn, H_in, W_in = image.shape
    H_out, W_out = grid.shape[1], grid.shape[2]
    J = get_jacobian(grid)
    det = J[..., 0, 0] * J[..., 1, 1] - J[..., 0, 1] * J[..., 1, 0]
    det_e = det[..., None, None] + 1e-08
    row0 = jnp.stack([J[..., 1, 1], -J[..., 0, 1]], axis=-1)
    row1 = jnp.stack([-J[..., 1, 0], J[..., 0, 0]], axis=-1)
    Jinv = jnp.stack([row0, row1], axis=-2) / det_e
    a = Jinv[..., 0, 0]
    b = Jinv[..., 0, 1]
    c = Jinv[..., 1, 0]
    d = Jinv[..., 1, 1]
    n11 = a * a + b * b
    n12 = a * c + b * d
    n22 = c * c + d * d
    frob = n11 + n22
    det3 = det_e[..., 0, 0]
    disc = frob ** 2 - 4.0 / (det3 * det3)
    sqrt_disc = jnp.sqrt(jnp.maximum(disc, 0.0))
    twice_s1s1 = frob + sqrt_disc
    s1s1 = 0.5 * twice_s1s1
    s2s2 = 0.5 * (frob - sqrt_disc)
    major_mag = jnp.sqrt(jnp.maximum(s1s1, 1.0))
    minor_mag = jnp.sqrt(jnp.maximum(s2s2, 1.0))
    diff1 = s1s1 - n11
    diff2 = s1s1 - n22
    cond = diff1 ** 2 >= diff2 ** 2
    temp_u11 = jnp.where(cond, n12, diff2)
    temp_u21 = jnp.where(cond, diff1, n12)
    norm = jnp.sqrt(temp_u11 ** 2 + temp_u21 ** 2)
    safe_norm = jnp.where(norm > 0, norm, 1.0)
    u11 = jnp.where(norm > 0, temp_u11 / safe_norm, jnp.ones_like(norm))
    u21 = jnp.where(norm > 0, temp_u21 / safe_norm, jnp.zeros_like(norm))
    c_major_x = u11 / major_mag
    c_major_y = u21 / major_mag
    c_minor_x = -u21 / minor_mag
    c_minor_y = u11 / minor_mag
    ellipse_f = major_mag * minor_mag
    theta = 1.0 / ellipse_f
    need_ewa = twice_s1s1 > 2.0
    win_radius = 3
    win_size = 2 * win_radius
    gx = grid[..., 0]
    gy = grid[..., 1]
    ix = jnp.floor(gx).astype(jnp.int32)
    iy = jnp.floor(gy).astype(jnp.int32)
    fx = gx - (ix.astype(gx.dtype) + 0.5)
    fy = gy - (iy.astype(gy.dtype) + 0.5)
    img_pad = jnp.pad(image, ((0, 0), (0, 0), (win_radius, win_radius + 1), (win_radius, win_radius + 1)), mode='edge')
    oy, ox = jnp.meshgrid(jnp.arange(-win_radius + 1, win_radius + 1), jnp.arange(-win_radius + 1, win_radius + 1), indexing='ij')
    oy = oy.reshape(1, 1, 1, win_size, win_size)
    ox = ox.reshape(1, 1, 1, win_size, win_size)
    n_iy = iy[..., None, None] + oy + win_radius
    n_ix = ix[..., None, None] + ox + win_radius
    H_pad, W_pad = img_pad.shape[2], img_pad.shape[3]
    n_iy = jnp.clip(n_iy, 0, H_pad - 1)
    n_ix = jnp.clip(n_ix, 0, W_pad - 1)
    img_flat = img_pad.reshape(Bn, Cn, H_pad * W_pad)
    idx = (n_iy * W_pad + n_ix).reshape(Bn, -1)
    N = idx.shape[1]
    pixels = jnp.take_along_axis(img_flat, jnp.broadcast_to(idx[:, None, :], (Bn, Cn, N)), axis=2)
    pixels = pixels.reshape(Bn, Cn, H_out, W_out, win_size, win_size)
    rel_x = fx[..., None, None] - ox.astype(gx.dtype)
    rel_y = fy[..., None, None] - oy.astype(gy.dtype)
    pixels_sigmoid = inverse_sigmoid(pixels)
    w_mitchell = mitchell_kernel(rel_x) * mitchell_kernel(rel_y)
    mitchell_sum = jnp.sum(pixels_sigmoid * w_mitchell[:, None], axis=(-1, -2))
    mitchell_val = extended_sigmoid(mitchell_sum)
    cmx = c_major_x[..., None, None]
    cmy = c_major_y[..., None, None]
    cnx = c_minor_x[..., None, None]
    cny = c_minor_y[..., None, None]
    q1 = rel_x * cmx + rel_y * cmy
    q2 = rel_x * cnx + rel_y * cny
    r2 = q1 * q1 + q2 * q2
    w_ewa = robidoux_weight(r2)
    total_weight = jnp.sum(w_ewa, axis=(-1, -2)) + 1e-08
    ewa_sum = jnp.sum(pixels * w_ewa[:, None], axis=(-1, -2))
    ewa_val = ewa_sum / total_weight[:, None]
    theta_e = theta[:, None]
    blended = theta_e * mitchell_val + (1.0 - theta_e) * ewa_val
    final_val = jnp.where(need_ewa[:, None], blended, mitchell_val)
    return final_val


def setup_inputs(seed: int = 0):
    key = jax.random.key(seed)
    k1, k2 = jax.random.split(key)
    image = jax.random.normal(k1, (B, C, H_IN, W_IN), dtype=jnp.float32)
    grid = jax.random.uniform(k2, (B, H_OUT, W_OUT, 2), dtype=jnp.float32) * float(min(H_IN, W_IN) - 1)
    return {'image': image, 'grid': grid}


def reference(image, grid):
    return _forward(image, grid)

if __name__ == "__main__":
    import jax
    _d = setup_inputs()
    print(jax.jit(kernel)(*tuple(_d.values())))

</pallas_src>

<mosaic_0001>
#map = affine_map<(d0, d1) -> (0, 0)>
module attributes {stable_mosaic.version = 14 : i64} {
  func.func @_gather_body(%arg0: i32, %arg1: i32, %arg2: memref<306176x128xi32, #tpu.memory_space<hbm>>, %arg3: memref<2304x128xi32, #tpu.memory_space<hbm>>, %arg4: memref<294912x128xi32, #tpu.memory_space<hbm>>, %arg5: memref<72x128xi32, #tpu.memory_space<vmem>>, %arg6: memref<512x128xi32, #tpu.memory_space<vmem>>, %arg7: memref<!tpu.dma_semaphore, #tpu.memory_space<semaphore_mem>>) attributes {dimension_semantics = [#tpu.dimension_semantics<core_parallel>, #tpu.dimension_semantics<subcore_parallel>], iteration_bounds = array<i64: 2, 16>, scalar_prefetch = 0 : i64, scratch_operands = 3 : i64, tpu.core_type = #tpu.core_type<sc_vector_subcore>, window_params = [{transform_indices = #map}, {transform_indices = #map}, {transform_indices = #map}]} {
    %mul3A = arith.constant 2 : i32
    %mul3A_0 = arith.muli %arg1, %mul3A : i32
    %add3A = arith.addi %mul3A_0, %arg0 : i32
    %mul3A_1 = arith.constant 72 : i32
    %mul3A_2 = arith.muli %add3A, %mul3A_1 : i32
    "tpu.region"() ({
      %run_scoped3A = tpu.sem_alloc : memref<!tpu.dma_semaphore, #tpu.memory_space<semaphore_mem>>
      %dma_start3A = arith.constant 0 : i32
      %dma_start3A_8 = tpu.memref_slice %arg3[%mul3A_2, %dma_start3A] : memref<2304x128xi32, #tpu.memory_space<hbm>> -> memref<72x128xi32, #tpu.memory_space<hbm>>
      %dma_start3A_9 = arith.constant 0 : i32
      %dma_start3A_10 = tpu.memref_slice %arg3[%mul3A_2, %dma_start3A_9] : memref<2304x128xi32, #tpu.memory_space<hbm>> -> memref<72x128xi32, #tpu.memory_space<hbm>>
      tpu.enqueue_dma source(%dma_start3A_10 : memref<72x128xi32, #tpu.memory_space<hbm>>) target(%arg5 : memref<72x128xi32, #tpu.memory_space<vmem>>) target_semaphore(%run_scoped3A : memref<!tpu.dma_semaphore, #tpu.memory_space<semaphore_mem>>)
      %dma_wait3A = arith.constant 0 : i32
      %dma_wait3A_11 = tpu.memref_slice %arg3[%mul3A_2, %dma_wait3A] : memref<2304x128xi32, #tpu.memory_space<hbm>> -> memref<72x128xi32, #tpu.memory_space<hbm>>
      %dma_wait3A_12 = arith.constant 0 : i32
      %dma_wait3A_13 = tpu.memref_slice %arg3[%mul3A_2, %dma_wait3A_12] : memref<2304x128xi32, #tpu.memory_space<hbm>> -> memref<72x128xi32, #tpu.memory_space<hbm>>
      tpu.wait_dma2 semaphore(%run_scoped3A : memref<!tpu.dma_semaphore, #tpu.memory_space<semaphore_mem>>) src(%dma_wait3A_13 : memref<72x128xi32, #tpu.memory_space<hbm>>) dst(%arg5 : memref<72x128xi32, #tpu.memory_space<vmem>>)
      tpu.yield
    }) : () -> ()
    %scan3A = arith.constant 0 : i32
    %scan3A_3 = arith.constant 0 : i32
    %scan3A_4 = arith.constant 18 : i32
    %scan3A_5 = arith.addi %scan3A_3, %scan3A_4 : i32
    %scan3A_6 = arith.constant 1 : i32
    scf.for %scan3A_8 = %scan3A_3 to %scan3A_5 step %scan3A_6  : i32 {
      %mul3A_9 = arith.constant 4 : i32
      %mul3A_10 = arith.muli %scan3A_8, %mul3A_9 : i32
      %add3A_11 = arith.constant 0 : i32
      %add3A_12 = arith.addi %mul3A_10, %add3A_11 : i32
      %dma_start3A = arith.constant 0 : i32
      %dma_start3A_13 = arith.constant 0 : i32
      %dma_start3A_14 = tpu.memref_slice %arg6[%dma_start3A, %dma_start3A_13] : memref<512x128xi32, #tpu.memory_space<vmem>> -> memref<128x128xi32, #tpu.memory_space<vmem>>
      %dma_start3A_15 = arith.constant 0 : i32
      %dma_start3A_16 = tpu.memref_slice %arg5[%add3A_12, %dma_start3A_15] : memref<72x128xi32, #tpu.memory_space<vmem>> -> memref<1x128xi32, #tpu.memory_space<vmem>>
      %dma_start3A_17 = tpu.memref_squeeze %dma_start3A_16 : memref<1x128xi32, #tpu.memory_space<vmem>> -> memref<128xi32, #tpu.memory_space<vmem>>
      %dma_start3A_18 = arith.constant 0 : i32
      %dma_start3A_19 = arith.constant 0 : i32
      %dma_start3A_20 = tpu.memref_slice %arg2[%dma_start3A_18, %dma_start3A_19] : memref<306176x128xi32, #tpu.memory_space<hbm>> -> memref<306176x128xi32, #tpu.memory_space<hbm>>
      tpu.enqueue_indirect_dma source(%dma_start3A_20 : memref<306176x128xi32, #tpu.memory_space<hbm>>) target(%dma_start3A_14 : memref<128x128xi32, #tpu.memory_space<vmem>>) offsets(%dma_start3A_17 : memref<128xi32, #tpu.memory_space<vmem>>) semaphore(%arg7 : memref<!tpu.dma_semaphore, #tpu.memory_space<semaphore_mem>>)
      %mul3A_21 = arith.constant 4 : i32
      %mul3A_22 = arith.muli %scan3A_8, %mul3A_21 : i32
      %add3A_23 = arith.constant 1 : i32
      %add3A_24 = arith.addi %mul3A_22, %add3A_23 : i32
      %dma_start3A_25 = arith.constant 128 : i32
      %dma_start3A_26 = arith.constant 0 : i32
      %dma_start3A_27 = tpu.memref_slice %arg6[%dma_start3A_25, %dma_start3A_26] : memref<512x128xi32, #tpu.memory_space<vmem>> -> memref<128x128xi32, #tpu.memory_space<vmem>>
      %dma_start3A_28 = arith.constant 0 : i32
      %dma_start3A_29 = tpu.memref_slice %arg5[%add3A_24, %dma_start3A_28] : memref<72x128xi32, #tpu.memory_space<vmem>> -> memref<1x128xi32, #tpu.memory_space<vmem>>
      %dma_start3A_30 = tpu.memref_squeeze %dma_start3A_29 : memref<1x128xi32, #tpu.memory_space<vmem>> -> memref<128xi32, #tpu.memory_space<vmem>>
      %dma_start3A_31 = arith.constant 0 : i32
      %dma_start3A_32 = arith.constant 0 : i32
      %dma_start3A_33 = tpu.memref_slice %arg2[%dma_start3A_31, %dma_start3A_32] : memref<306176x128xi32, #tpu.memory_space<hbm>> -> memref<306176x128xi32, #tpu.memory_space<hbm>>
      tpu.enqueue_indirect_dma source(%dma_start3A_33 : memref<306176x128xi32, #tpu.memory_space<hbm>>) target(%dma_start3A_27 : memref<128x128xi32, #tpu.memory_space<vmem>>) offsets(%dma_start3A_30 : memref<128xi32, #tpu.memory_space<vmem>>) semaphore(%arg7 : memref<!tpu.dma_semaphore, #tpu.memory_space<semaphore_mem>>)
      %mul3A_34 = arith.constant 4 : i32
      %mul3A_35 = arith.muli %scan3A_8, %mul3A_34 : i32
      %add3A_36 = arith.constant 2 : i32
      %add3A_37 = arith.addi %mul3A_35, %add3A_36 : i32
      %dma_start3A_38 = arith.constant 256 : i32
      %dma_start3A_39 = arith.constant 0 : i32
      %dma_start3A_40 = tpu.memref_slice %arg6[%dma_start3A_38, %dma_start3A_39] : memref<512x128xi32, #tpu.memory_space<vmem>> -> memref<128x128xi32, #tpu.memory_space<vmem>>
      %dma_start3A_41 = arith.constant 0 : i32
      %dma_start3A_42 = tpu.memref_slice %arg5[%add3A_37, %dma_start3A_41] : memref<72x128xi32, #tpu.memory_space<vmem>> -> memref<1x128xi32, #tpu.memory_space<vmem>>
      %dma_start3A_43 = tpu.memref_squeeze %dma_start3A_42 : memref<1x128xi32, #tpu.memory_space<vmem>> -> memref<128xi32, #tpu.memory_space<vmem>>
      %dma_start3A_44 = arith.constant 0 : i32
      %dma_start3A_45 = arith.constant 0 : i32
      %dma_start3A_46 = tpu.memref_slice %arg2[%dma_start3A_44, %dma_start3A_45] : memref<306176x128xi32, #tpu.memory_space<hbm>> -> memref<306176x128xi32, #tpu.memory_space<hbm>>
      tpu.enqueue_indirect_dma source(%dma_start3A_46 : memref<306176x128xi32, #tpu.memory_space<hbm>>) target(%dma_start3A_40 : memref<128x128xi32, #tpu.memory_space<vmem>>) offsets(%dma_start3A_43 : memref<128xi32, #tpu.memory_space<vmem>>) semaphore(%arg7 : memref<!tpu.dma_semaphore, #tpu.memory_space<semaphore_mem>>)
      %mul3A_47 = arith.constant 4 : i32
      %mul3A_48 = arith.muli %scan3A_8, %mul3A_47 : i32
      %add3A_49 = arith.constant 3 : i32
      %add3A_50 = arith.addi %mul3A_48, %add3A_49 : i32
      %dma_start3A_51 = arith.constant 384 : i32
      %dma_start3A_52 = arith.constant 0 : i32
      %dma_start3A_53 = tpu.memref_slice %arg6[%dma_start3A_51, %dma_start3A_52] : memref<512x128xi32, #tpu.memory_space<vmem>> -> memref<128x128xi32, #tpu.memory_space<vmem>>
      %dma_start3A_54 = arith.constant 0 : i32
      %dma_start3A_55 = tpu.memref_slice %arg5[%add3A_50, %dma_start3A_54] : memref<72x128xi32, #tpu.memory_space<vmem>> -> memref<1x128xi32, #tpu.memory_space<vmem>>
      %dma_start3A_56 = tpu.memref_squeeze %dma_start3A_55 : memref<1x128xi32, #tpu.memory_space<vmem>> -> memref<128xi32, #tpu.memory_space<vmem>>
      %dma_start3A_57 = arith.constant 0 : i32
      %dma_start3A_58 = arith.constant 0 : i32
      %dma_start3A_59 = tpu.memref_slice %arg2[%dma_start3A_57, %dma_start3A_58] : memref<306176x128xi32, #tpu.memory_space<hbm>> -> memref<306176x128xi32, #tpu.memory_space<hbm>>
      tpu.enqueue_indirect_dma source(%dma_start3A_59 : memref<306176x128xi32, #tpu.memory_space<hbm>>) target(%dma_start3A_53 : memref<128x128xi32, #tpu.memory_space<vmem>>) offsets(%dma_start3A_56 : memref<128xi32, #tpu.memory_space<vmem>>) semaphore(%arg7 : memref<!tpu.dma_semaphore, #tpu.memory_space<semaphore_mem>>)
      %dma_wait3A = arith.constant 0 : i32
      %dma_wait3A_60 = arith.constant 0 : i32
      %dma_wait3A_61 = tpu.memref_slice %arg6[%dma_wait3A, %dma_wait3A_60] : memref<512x128xi32, #tpu.memory_space<vmem>> -> memref<128x128xi32, #tpu.memory_space<vmem>>
      %dma_wait3A_62 = arith.constant 0 : i32
      %dma_wait3A_63 = tpu.memref_slice %arg5[%add3A_12, %dma_wait3A_62] : memref<72x128xi32, #tpu.memory_space<vmem>> -> memref<1x128xi32, #tpu.memory_space<vmem>>
      %dma_wait3A_64 = tpu.memref_squeeze %dma_wait3A_63 : memref<1x128xi32, #tpu.memory_space<vmem>> -> memref<128xi32, #tpu.memory_space<vmem>>
      %dma_wait3A_65 = arith.constant 0 : i32
      %dma_wait3A_66 = arith.constant 0 : i32
      %dma_wait3A_67 = tpu.memref_slice %arg2[%dma_wait3A_65, %dma_wait3A_66] : memref<306176x128xi32, #tpu.memory_space<hbm>> -> memref<306176x128xi32, #tpu.memory_space<hbm>>
      tpu.wait_indirect_dma semaphore(%arg7 : memref<!tpu.dma_semaphore, #tpu.memory_space<semaphore_mem>>) src(%dma_wait3A_67 : memref<306176x128xi32, #tpu.memory_space<hbm>>) dst(%dma_wait3A_61 : memref<128x128xi32, #tpu.memory_space<vmem>>)
      %dma_wait3A_68 = arith.constant 128 : i32
      %dma_wait3A_69 = arith.constant 0 : i32
      %dma_wait3A_70 = tpu.memref_slice %arg6[%dma_wait3A_68, %dma_wait3A_69] : memref<512x128xi32, #tpu.memory_space<vmem>> -> memref<128x128xi32, #tpu.memory_space<vmem>>
      %dma_wait3A_71 = arith.constant 0 : i32
      %dma_wait3A_72 = tpu.memref_slice %arg5[%add3A_24, %dma_wait3A_71] : memref<72x128xi32, #tpu.memory_space<vmem>> -> memref<1x128xi32, #tpu.memory_space<vmem>>
      %dma_wait3A_73 = tpu.memref_squeeze %dma_wait3A_72 : memref<1x128xi32, #tpu.memory_space<vmem>> -> memref<128xi32, #tpu.memory_space<vmem>>
      %dma_wait3A_74 = arith.constant 0 : i32
      %dma_wait3A_75 = arith.constant 0 : i32
      %dma_wait3A_76 = tpu.memref_slice %arg2[%dma_wait3A_74, %dma_wait3A_75] : memref<306176x128xi32, #tpu.memory_space<hbm>> -> memref<306176x128xi32, #tpu.memory_space<hbm>>
      tpu.wait_indirect_dma semaphore(%arg7 : memref<!tpu.dma_semaphore, #tpu.memory_space<semaphore_mem>>) src(%dma_wait3A_76 : memref<306176x128xi32, #tpu.memory_space<hbm>>) dst(%dma_wait3A_70 : memref<128x128xi32, #tpu.memory_space<vmem>>)
      %dma_wait3A_77 = arith.constant 256 : i32
      %dma_wait3A_78 = arith.constant 0 : i32
      %dma_wait3A_79 = tpu.memref_slice %arg6[%dma_wait3A_77, %dma_wait3A_78] : memref<512x128xi32, #tpu.memory_space<vmem>> -> memref<128x128xi32, #tpu.memory_space<vmem>>
      %dma_wait3A_80 = arith.constant 0 : i32
      %dma_wait3A_81 = tpu.memref_slice %arg5[%add3A_37, %dma_wait3A_80] : memref<72x128xi32, #tpu.memory_space<vmem>> -> memref<1x128xi32, #tpu.memory_space<vmem>>
      %dma_wait3A_82 = tpu.memref_squeeze %dma_wait3A_81 : memref<1x128xi32, #tpu.memory_space<vmem>> -> memref<128xi32, #tpu.memory_space<vmem>>
      %dma_wait3A_83 = arith.constant 0 : i32
      %dma_wait3A_84 = arith.constant 0 : i32
      %dma_wait3A_85 = tpu.memref_slice %arg2[%dma_wait3A_83, %dma_wait3A_84] : memref<306176x128xi32, #tpu.memory_space<hbm>> -> memref<306176x128xi32, #tpu.memory_space<hbm>>
      tpu.wait_indirect_dma semaphore(%arg7 : memref<!tpu.dma_semaphore, #tpu.memory_space<semaphore_mem>>) src(%dma_wait3A_85 : memref<306176x128xi32, #tpu.memory_space<hbm>>) dst(%dma_wait3A_79 : memref<128x128xi32, #tpu.memory_space<vmem>>)
      %dma_wait3A_86 = arith.constant 384 : i32
      %dma_wait3A_87 = arith.constant 0 : i32
      %dma_wait3A_88 = tpu.memref_slice %arg6[%dma_wait3A_86, %dma_wait3A_87] : memref<512x128xi32, #tpu.memory_space<vmem>> -> memref<128x128xi32, #tpu.memory_space<vmem>>
      %dma_wait3A_89 = arith.constant 0 : i32
      %dma_wait3A_90 = tpu.memref_slice %arg5[%add3A_50, %dma_wait3A_89] : memref<72x128xi32, #tpu.memory_space<vmem>> -> memref<1x128xi32, #tpu.memory_space<vmem>>
      %dma_wait3A_91 = tpu.memref_squeeze %dma_wait3A_90 : memref<1x128xi32, #tpu.memory_space<vmem>> -> memref<128xi32, #tpu.memory_space<vmem>>
      %dma_wait3A_92 = arith.constant 0 : i32
      %dma_wait3A_93 = arith.constant 0 : i32
      %dma_wait3A_94 = tpu.memref_slice %arg2[%dma_wait3A_92, %dma_wait3A_93] : memref<306176x128xi32, #tpu.memory_space<hbm>> -> memref<306176x128xi32, #tpu.memory_space<hbm>>
      tpu.wait_indirect_dma semaphore(%arg7 : memref<!tpu.dma_semaphore, #tpu.memory_space<semaphore_mem>>) src(%dma_wait3A_94 : memref<306176x128xi32, #tpu.memory_space<hbm>>) dst(%dma_wait3A_88 : memref<128x128xi32, #tpu.memory_space<vmem>>)
      %mul3A_95 = arith.constant 9216 : i32
      %mul3A_96 = arith.muli %add3A, %mul3A_95 : i32
      %mul3A_97 = arith.constant 512 : i32
      %mul3A_98 = arith.muli %scan3A_8, %mul3A_97 : i32
      %add3A_99 = arith.addi %mul3A_96, %mul3A_98 : i32
      "tpu.region"() ({
        %run_scoped3A = tpu.sem_alloc : memref<!tpu.dma_semaphore, #tpu.memory_space<semaphore_mem>>
        %dma_start3A_100 = arith.constant 0 : i32
        %dma_start3A_101 = tpu.memref_slice %arg4[%add3A_99, %dma_start3A_100] : memref<294912x128xi32, #tpu.memory_space<hbm>> -> memref<512x128xi32, #tpu.memory_space<hbm>>
        %dma_start3A_102 = arith.constant 0 : i32
        %dma_start3A_103 = tpu.memref_slice %arg4[%add3A_99, %dma_start3A_102] : memref<294912x128xi32, #tpu.memory_space<hbm>> -> memref<512x128xi32, #tpu.memory_space<hbm>>
        tpu.enqueue_dma source(%arg6 : memref<512x128xi32, #tpu.memory_space<vmem>>) target(%dma_start3A_103 : memref<512x128xi32, #tpu.memory_space<hbm>>) target_semaphore(%run_scoped3A : memref<!tpu.dma_semaphore, #tpu.memory_space<semaphore_mem>>)
        %dma_wait3A_104 = arith.constant 0 : i32
        %dma_wait3A_105 = tpu.memref_slice %arg4[%add3A_99, %dma_wait3A_104] : memref<294912x128xi32, #tpu.memory_space<hbm>> -> memref<512x128xi32, #tpu.memory_space<hbm>>
        %dma_wait3A_106 = arith.constant 0 : i32
        %dma_wait3A_107 = tpu.memref_slice %arg4[%add3A_99, %dma_wait3A_106] : memref<294912x128xi32, #tpu.memory_space<hbm>> -> memref<512x128xi32, #tpu.memory_space<hbm>>
        tpu.wait_dma2 semaphore(%run_scoped3A : memref<!tpu.dma_semaphore, #tpu.memory_space<semaphore_mem>>) src(%arg6 : memref<512x128xi32, #tpu.memory_space<vmem>>) dst(%dma_wait3A_107 : memref<512x128xi32, #tpu.memory_space<hbm>>)
        tpu.yield
      }) : () -> ()
    }
    %scan3A_7 = arith.constant 18 : i32
    return
  }
}

module attributes {stable_mosaic.version = 14 : i64} {
  func.func @_pack_body(%arg0: i32, %arg1: i32, %arg2: memref<1x1x391x391xf32, #tpu.memory_space<vmem>>, %arg3: memref<1x1x391x391xi32, #tpu.memory_space<vmem>>) attributes {dimension_semantics = [#tpu.dimension_semantics<arbitrary>, #tpu.dimension_semantics<arbitrary>], iteration_bounds = array<i64: 2, 3>, scalar_prefetch = 0 : i64, scratch_operands = 0 : i64, tpu.core_type = #tpu.core_type<tc>, window_params = [{transform_indices = @transform_0, window_bounds = array<i64: 1, 1, 391, 391>}, {transform_indices = @transform_1, window_bounds = array<i64: 1, 1, 391, 391>}]} {
    %get3A = arith.constant 0 : index
    %get3A_0 = arith.constant 0 : index
    %get3A_1 = arith.constant 0 : index
    %get3A_2 = arith.constant 0 : index
    %get3A_3 = vector.load %arg2[%get3A, %get3A_0, %get3A_1, %get3A_2] : memref<1x1x391x391xf32, #tpu.memory_space<vmem>>, vector<1x1x391x391xf32>
    %mul3A = arith.constant 1.55099177 : f32
    %mul3A_4 = vector.broadcast %mul3A : f32 to vector<1x1x391x391xf32>
    %mul3A_5 = arith.mulf %get3A_3, %mul3A_4 : vector<1x1x391x391xf32>
    %mul3A_6 = arith.constant 1.55099177 : f32
    %mul3A_7 = vector.broadcast %mul3A_6 : f32 to vector<1x1x391x391xf32>
    %mul3A_8 = arith.mulf %get3A_3, %mul3A_7 : vector<1x1x391x391xf32>
    %add3A = arith.constant -0.550991833 : f32
    %add3A_9 = vector.broadcast %add3A : f32 to vector<1x1x391x391xf32>
    %add3A_10 = arith.addf %mul3A_8, %add3A_9 : vector<1x1x391x391xf32>
    %mul3A_11 = arith.constant 1.37844419 : f32
    %mul3A_12 = vector.broadcast %mul3A_11 : f32 to vector<1x1x391x391xf32>
    %mul3A_13 = arith.mulf %mul3A_12, %get3A_3 : vector<1x1x391x391xf32>
    %add3A_14 = arith.constant -0.689222097 : f32
    %add3A_15 = vector.broadcast %add3A_14 : f32 to vector<1x1x391x391xf32>
    %add3A_16 = arith.addf %mul3A_13, %add3A_15 : vector<1x1x391x391xf32>
    %jit3A = arith.constant -0.999998986 : f32
    %jit3A_17 = arith.constant 0.999998986 : f32
    %max3A = vector.broadcast %jit3A : f32 to vector<1x1x391x391xf32>
    %max3A_18 = arith.maximumf %max3A, %add3A_16 : vector<1x1x391x391xf32>
    %min3A = vector.broadcast %jit3A_17 : f32 to vector<1x1x391x391xf32>
    %min3A_19 = arith.minimumf %min3A, %max3A_18 : vector<1x1x391x391xf32>
    %add3A_20 = arith.constant 1.000000e+00 : f32
    %add3A_21 = vector.broadcast %add3A_20 : f32 to vector<1x1x391x391xf32>
    %add3A_22 = arith.addf %add3A_21, %min3A_19 : vector<1x1x391x391xf32>
    %sub3A = arith.constant 1.000000e+00 : f32
    %sub3A_23 = vector.broadcast %sub3A : f32 to vector<1x1x391x391xf32>
    %sub3A_24 = arith.subf %sub3A_23, %min3A_19 : vector<1x1x391x391xf32>
    %div3A = arith.divf %add3A_22, %sub3A_24 : vector<1x1x391x391xf32>
    %log3A = math.log %div3A : vector<1x1x391x391xf32>
    %mul3A_25 = arith.constant 5.000000e-01 : f32
    %mul3A_26 = vector.broadcast %mul3A_25 : f32 to vector<1x1x391x391xf32>
    %mul3A_27 = arith.mulf %mul3A_26, %log3A : vector<1x1x391x391xf32>
    %mul3A_28 = arith.constant 0.590686619 : f32
    %mul3A_29 = vector.broadcast %mul3A_28 : f32 to vector<1x1x391x391xf32>
    %mul3A_30 = arith.mulf %mul3A_29, %mul3A_27 : vector<1x1x391x391xf32>
    %add3A_31 = arith.constant 5.000000e-01 : f32
    %add3A_32 = vector.broadcast %add3A_31 : f32 to vector<1x1x391x391xf32>
    %add3A_33 = arith.addf %mul3A_30, %add3A_32 : vector<1x1x391x391xf32>
    %le3A = arith.constant 0.000000e+00 : f32
    %le3A_34 = vector.broadcast %le3A : f32 to vector<1x1x391x391xf32>
    %le3A_35 = arith.cmpf ole, %get3A_3, %le3A_34 : vector<1x1x391x391xf32>
    %ge3A = arith.constant 1.000000e+00 : f32
    %ge3A_36 = vector.broadcast %ge3A : f32 to vector<1x1x391x391xf32>
    %ge3A_37 = arith.cmpf oge, %get3A_3, %ge3A_36 : vector<1x1x391x391xf32>
    %select_n3A = arith.select %ge3A_37, %add3A_10, %add3A_33 : vector<1x1x391x391xi1>, vector<1x1x391x391xf32>
    %select_n3A_38 = arith.select %le3A_35, %mul3A_5, %select_n3A : vector<1x1x391x391xi1>, vector<1x1x391x391xf32>
    %convert_element_type3A = arith.truncf %get3A_3 : vector<1x1x391x391xf32> to vector<1x1x391x391xbf16>
    %bitcast_convert_type3A = tpu.bitcast %convert_element_type3A : vector<1x1x391x391xbf16> -> vector<1x1x391x391xi16>
    %convert_element_type3A_39 = arith.truncf %select_n3A_38 : vector<1x1x391x391xf32> to vector<1x1x391x391xbf16>
    %bitcast_convert_type3A_40 = tpu.bitcast %convert_element_type3A_39 : vector<1x1x391x391xbf16> -> vector<1x1x391x391xi16>
    %convert_element_type3A_41 = arith.extui %bitcast_convert_type3A : vector<1x1x391x391xi16> to vector<1x1x391x391xi32>
    %shift_left3A = arith.constant 16 : i32
    %shift_left3A_42 = vector.broadcast %shift_left3A : i32 to vector<1x1x391x391xi32>
    %shift_left3A_43 = arith.shli %convert_element_type3A_41, %shift_left3A_42 : vector<1x1x391x391xi32>
    %convert_element_type3A_44 = arith.extui %bitcast_convert_type3A_40 : vector<1x1x391x391xi16> to vector<1x1x391x391xi32>
    %or3A = arith.ori %shift_left3A_43, %convert_element_type3A_44 : vector<1x1x391x391xi32>
    %swap3A = arith.constant 0 : index
    %swap3A_45 = arith.constant 0 : index
    %swap3A_46 = arith.constant 0 : index
    %swap3A_47 = arith.constant 0 : index
    %swap3A_48 = vector.load %arg3[%swap3A, %swap3A_45, %swap3A_46, %swap3A_47] : memref<1x1x391x391xi32, #tpu.memory_space<vmem>>, vector<1x1x391x391xi32>
    tpu.vector_store %arg3[%swap3A, %swap3A_45, %swap3A_46, %swap3A_47], %or3A {strides = array<i32>} : memref<1x1x391x391xi32, #tpu.memory_space<vmem>>, vector<1x1x391x391xi32>,
    return
  }
  func.func @transform_0(%arg0: i32, %arg1: i32) -> (i32, i32, i32, i32) {
    %c0_i32 = arith.constant 0 : i32
    %c0_i32_0 = arith.constant 0 : i32
    %c0_i32_1 = arith.constant 0 : i32
    return %arg0, %arg1, %c0_i32, %c0_i32_0 : i32, i32, i32, i32
  }
  func.func @transform_1(%arg0: i32, %arg1: i32) -> (i32, i32, i32, i32) {
    %c0_i32 = arith.constant 0 : i32
    %c0_i32_0 = arith.constant 0 : i32
    %c0_i32_1 = arith.constant 0 : i32
    return %arg0, %arg1, %c0_i32, %c0_i32_0 : i32, i32, i32, i32
  }
}

module attributes {stable_mosaic.version = 14 : i64} {
  func.func @_transp_body(%arg0: i32, %arg1: i32, %arg2: memref<1x128x512xi32, #tpu.memory_space<vmem>>, %arg3: memref<1x512x128xi32, #tpu.memory_space<vmem>>) attributes {dimension_semantics = [#tpu.dimension_semantics<arbitrary>, #tpu.dimension_semantics<arbitrary>], iteration_bounds = array<i64: 2, 299>, scalar_prefetch = 0 : i64, scratch_operands = 0 : i64, tpu.core_type = #tpu.core_type<tc>, window_params = [{transform_indices = @transform_0, window_bounds = array<i64: 1, 128, 512>}, {transform_indices = @transform_1, window_bounds = array<i64: 1, 512, 128>}]} {
    %get3A = arith.constant 0 : index
    %get3A_0 = arith.constant 0 : index
    %get3A_1 = arith.constant 0 : index
    %get3A_2 = vector.load %arg2[%get3A, %get3A_0, %get3A_1] : memref<1x128x512xi32, #tpu.memory_space<vmem>>, vector<1x128x512xi32>
    %get3A_3 = vector.shape_cast %get3A_2 : vector<1x128x512xi32> to vector<128x512xi32>
    %transpose3A = tpu.transpose %get3A_3, [1, 0] : vector<128x512xi32> -> vector<512x128xi32>
    %swap3A = arith.constant 0 : index
    %swap3A_4 = arith.constant 0 : index
    %swap3A_5 = arith.constant 0 : index
    %swap3A_6 = vector.load %arg3[%swap3A, %swap3A_4, %swap3A_5] : memref<1x512x128xi32, #tpu.memory_space<vmem>>, vector<1x512x128xi32>
    %swap3A_7 = vector.shape_cast %swap3A_6 : vector<1x512x128xi32> to vector<512x128xi32>
    %swap3A_8 = vector.shape_cast %transpose3A : vector<512x128xi32> to vector<1x512x128xi32>
    tpu.vector_store %arg3[%swap3A, %swap3A_4, %swap3A_5], %swap3A_8 {strides = array<i32>} : memref<1x512x128xi32, #tpu.memory_space<vmem>>, vector<1x512x128xi32>,
    return
  }
  func.func @transform_0(%arg0: i32, %arg1: i32) -> (i32, i32, i32) {
    %c0_i32 = arith.constant 0 : i32
    %c0_i32_0 = arith.constant 0 : i32
    return %arg0, %c0_i32, %arg1 : i32, i32, i32
  }
  func.func @transform_1(%arg0: i32, %arg1: i32) -> (i32, i32, i32) {
    %c0_i32 = arith.constant 0 : i32
    %c0_i32_0 = arith.constant 0 : i32
    return %arg0, %arg1, %c0_i32 : i32, i32, i32
  }
}

module attributes {stable_mosaic.version = 14 : i64} {
  func.func @_wprep_body(%arg0: i32, %arg1: i32, %arg2: memref<1x6x2048xf32, #tpu.memory_space<vmem>>, %arg3: memref<1x24x2048xf32, #tpu.memory_space<vmem>>) attributes {dimension_semantics = [#tpu.dimension_semantics<arbitrary>, #tpu.dimension_semantics<arbitrary>], iteration_bounds = array<i64: 2, 72>, scalar_prefetch = 0 : i64, scratch_operands = 0 : i64, tpu.core_type = #tpu.core_type<tc>, window_params = [{transform_indices = @transform_0, window_bounds = array<i64: 1, 6, 2048>}, {transform_indices = @transform_1, window_bounds = array<i64: 1, 24, 2048>}]} {
    %get3A = arith.constant 0 : index
    %get3A_0 = arith.constant 0 : index
    %get3A_1 = arith.constant 0 : index
    %get3A_2 = vector.load %arg2[%get3A, %get3A_0, %get3A_1] : memref<1x6x2048xf32, #tpu.memory_space<vmem>>, vector<1x6x2048xf32>
    %get3A_3 = vector.shape_cast %get3A_2 : vector<1x6x2048xf32> to vector<6x2048xf32>
    %slice3A = vector.extract_strided_slice %get3A_3 {offsets = [0, 0], sizes = [1, 2048], strides = [1, 1]} : vector<6x2048xf32> to vector<1x2048xf32>
    %slice3A_4 = vector.extract_strided_slice %get3A_3 {offsets = [1, 0], sizes = [1, 2048], strides = [1, 1]} : vector<6x2048xf32> to vector<1x2048xf32>
    %slice3A_5 = vector.extract_strided_slice %get3A_3 {offsets = [2, 0], sizes = [1, 2048], strides = [1, 1]} : vector<6x2048xf32> to vector<1x2048xf32>
    %slice3A_6 = vector.extract_strided_slice %get3A_3 {offsets = [3, 0], sizes = [1, 2048], strides = [1, 1]} : vector<6x2048xf32> to vector<1x2048xf32>
    %slice3A_7 = vector.extract_strided_slice %get3A_3 {offsets = [4, 0], sizes = [1, 2048], strides = [1, 1]} : vector<6x2048xf32> to vector<1x2048xf32>
    %slice3A_8 = vector.extract_strided_slice %get3A_3 {offsets = [5, 0], sizes = [1, 2048], strides = [1, 1]} : vector<6x2048xf32> to vector<1x2048xf32>
    %mul3A = arith.mulf %slice3A, %slice3A_6 : vector<1x2048xf32>
    %mul3A_9 = arith.mulf %slice3A_4, %slice3A_5 : vector<1x2048xf32>
    %sub3A = arith.subf %mul3A, %mul3A_9 : vector<1x2048xf32>
    %add3A = arith.constant 9.99999993E-9 : f32
    %add3A_10 = vector.broadcast %add3A : f32 to vector<1x2048xf32>
    %add3A_11 = arith.addf %sub3A, %add3A_10 : vector<1x2048xf32>
    %div3A = arith.divf %slice3A_6, %add3A_11 : vector<1x2048xf32>
    %neg3A = arith.constant 0.000000e+00 : f32
    %neg3A_12 = vector.broadcast %neg3A : f32 to vector<1x2048xf32>
    %neg3A_13 = arith.subf %neg3A_12, %slice3A_4 : vector<1x2048xf32>
    %div3A_14 = arith.divf %neg3A_13, %add3A_11 : vector<1x2048xf32>
    %neg3A_15 = arith.constant 0.000000e+00 : f32
    %neg3A_16 = vector.broadcast %neg3A_15 : f32 to vector<1x2048xf32>
    %neg3A_17 = arith.subf %neg3A_16, %slice3A_5 : vector<1x2048xf32>
    %div3A_18 = arith.divf %neg3A_17, %add3A_11 : vector<1x2048xf32>
    %div3A_19 = arith.divf %slice3A, %add3A_11 : vector<1x2048xf32>
    %mul3A_20 = arith.mulf %div3A, %div3A : vector<1x2048xf32>
    %mul3A_21 = arith.mulf %div3A_14, %div3A_14 : vector<1x2048xf32>
    %add3A_22 = arith.addf %mul3A_20, %mul3A_21 : vector<1x2048xf32>
    %mul3A_23 = arith.mulf %div3A, %div3A_18 : vector<1x2048xf32>
    %mul3A_24 = arith.mulf %div3A_14, %div3A_19 : vector<1x2048xf32>
    %add3A_25 = arith.addf %mul3A_23, %mul3A_24 : vector<1x2048xf32>
    %mul3A_26 = arith.mulf %div3A_18, %div3A_18 : vector<1x2048xf32>
    %mul3A_27 = arith.mulf %div3A_19, %div3A_19 : vector<1x2048xf32>
    %add3A_28 = arith.addf %mul3A_26, %mul3A_27 : vector<1x2048xf32>
    %add3A_29 = arith.addf %add3A_22, %add3A_28 : vector<1x2048xf32>
    %mul3A_30 = arith.mulf %add3A_29, %add3A_29 : vector<1x2048xf32>
    %mul3A_31 = arith.mulf %add3A_11, %add3A_11 : vector<1x2048xf32>
    %div3A_32 = arith.constant 4.000000e+00 : f32
    %div3A_33 = vector.broadcast %div3A_32 : f32 to vector<1x2048xf32>
    %div3A_34 = arith.divf %div3A_33, %mul3A_31 : vector<1x2048xf32>
    %sub3A_35 = arith.subf %mul3A_30, %div3A_34 : vector<1x2048xf32>
    %max3A = arith.constant 0.000000e+00 : f32
    %max3A_36 = vector.broadcast %max3A : f32 to vector<1x2048xf32>
    %max3A_37 = arith.maximumf %sub3A_35, %max3A_36 : vector<1x2048xf32>
    %sqrt3A = math.sqrt %max3A_37 : vector<1x2048xf32>
    %add3A_38 = arith.addf %add3A_29, %sqrt3A : vector<1x2048xf32>
    %mul3A_39 = arith.constant 5.000000e-01 : f32
    %mul3A_40 = vector.broadcast %mul3A_39 : f32 to vector<1x2048xf32>
    %mul3A_41 = arith.mulf %mul3A_40, %add3A_38 : vector<1x2048xf32>
    %max3A_42 = arith.constant 1.000000e+00 : f32
    %max3A_43 = vector.broadcast %max3A_42 : f32 to vector<1x2048xf32>
    %max3A_44 = arith.maximumf %mul3A_41, %max3A_43 : vector<1x2048xf32>
    %sqrt3A_45 = math.sqrt %max3A_44 : vector<1x2048xf32>
    %sub3A_46 = arith.subf %add3A_29, %sqrt3A : vector<1x2048xf32>
    %mul3A_47 = arith.constant 5.000000e-01 : f32
    %mul3A_48 = vector.broadcast %mul3A_47 : f32 to vector<1x2048xf32>
    %mul3A_49 = arith.mulf %mul3A_48, %sub3A_46 : vector<1x2048xf32>
    %max3A_50 = arith.constant 1.000000e+00 : f32
    %max3A_51 = vector.broadcast %max3A_50 : f32 to vector<1x2048xf32>
    %max3A_52 = arith.maximumf %mul3A_49, %max3A_51 : vector<1x2048xf32>
    %sqrt3A_53 = math.sqrt %max3A_52 : vector<1x2048xf32>
    %sub3A_54 = arith.subf %mul3A_41, %add3A_22 : vector<1x2048xf32>
    %sub3A_55 = arith.subf %mul3A_41, %add3A_28 : vector<1x2048xf32>
    %mul3A_56 = arith.mulf %sub3A_54, %sub3A_54 : vector<1x2048xf32>
    %mul3A_57 = arith.mulf %sub3A_55, %sub3A_55 : vector<1x2048xf32>
    %ge3A = arith.cmpf oge, %mul3A_56, %mul3A_57 : vector<1x2048xf32>
    %select_n3A = arith.select %ge3A, %add3A_25, %sub3A_55 : vector<1x2048xi1>, vector<1x2048xf32>
    %select_n3A_58 = arith.select %ge3A, %sub3A_54, %add3A_25 : vector<1x2048xi1>, vector<1x2048xf32>
    %mul3A_59 = arith.mulf %select_n3A, %select_n3A : vector<1x2048xf32>
    %mul3A_60 = arith.mulf %select_n3A_58, %select_n3A_58 : vector<1x2048xf32>
    %add3A_61 = arith.addf %mul3A_59, %mul3A_60 : vector<1x2048xf32>
    %sqrt3A_62 = math.sqrt %add3A_61 : vector<1x2048xf32>
    %gt3A = arith.constant 0.000000e+00 : f32
    %gt3A_63 = vector.broadcast %gt3A : f32 to vector<1x2048xf32>
    %gt3A_64 = arith.cmpf ogt, %sqrt3A_62, %gt3A_63 : vector<1x2048xf32>
    %jit3A = arith.constant 1.000000e+00 : f32
    %broadcast_in_dim3A = vector.broadcast %jit3A : f32 to vector<1x2048xf32>
    %select_n3A_65 = arith.select %gt3A_64, %sqrt3A_62, %broadcast_in_dim3A : vector<1x2048xi1>, vector<1x2048xf32>
    %div3A_66 = arith.divf %select_n3A, %select_n3A_65 : vector<1x2048xf32>
    %jit3A_67 = arith.constant 1.000000e+00 : f32
    %broadcast_in_dim3A_68 = vector.broadcast %jit3A_67 : f32 to vector<1x2048xf32>
    %select_n3A_69 = arith.select %gt3A_64, %div3A_66, %broadcast_in_dim3A_68 : vector<1x2048xi1>, vector<1x2048xf32>
    %div3A_70 = arith.divf %select_n3A_58, %select_n3A_65 : vector<1x2048xf32>
    %jit3A_71 = arith.constant 0.000000e+00 : f32
    %broadcast_in_dim3A_72 = vector.broadcast %jit3A_71 : f32 to vector<1x2048xf32>
    %select_n3A_73 = arith.select %gt3A_64, %div3A_70, %broadcast_in_dim3A_72 : vector<1x2048xi1>, vector<1x2048xf32>
    %div3A_74 = arith.divf %select_n3A_69, %sqrt3A_45 : vector<1x2048xf32>
    %div3A_75 = arith.divf %select_n3A_73, %sqrt3A_45 : vector<1x2048xf32>
    %neg3A_76 = arith.constant 0.000000e+00 : f32
    %neg3A_77 = vector.broadcast %neg3A_76 : f32 to vector<1x2048xf32>
    %neg3A_78 = arith.subf %neg3A_77, %select_n3A_73 : vector<1x2048xf32>
    %div3A_79 = arith.divf %neg3A_78, %sqrt3A_53 : vector<1x2048xf32>
    %div3A_80 = arith.divf %select_n3A_69, %sqrt3A_53 : vector<1x2048xf32>
    %mul3A_81 = arith.mulf %sqrt3A_45, %sqrt3A_53 : vector<1x2048xf32>
    %div3A_82 = arith.constant 1.000000e+00 : f32
    %div3A_83 = vector.broadcast %div3A_82 : f32 to vector<1x2048xf32>
    %div3A_84 = arith.divf %div3A_83, %mul3A_81 : vector<1x2048xf32>
    %add3A_85 = arith.addf %add3A_29, %sqrt3A : vector<1x2048xf32>
    %gt3A_86 = arith.constant 2.000000e+00 : f32
    %gt3A_87 = vector.broadcast %gt3A_86 : f32 to vector<1x2048xf32>
    %gt3A_88 = arith.cmpf ogt, %add3A_85, %gt3A_87 : vector<1x2048xf32>
    %convert_element_type3A = arith.extui %gt3A_88 : vector<1x2048xi1> to vector<1x2048xi32>
    %convert_element_type3A_89 = arith.sitofp %convert_element_type3A : vector<1x2048xi32> to vector<1x2048xf32>
    %sub3A_90 = arith.constant -2.000000e+00 : f32
    %sub3A_91 = vector.broadcast %sub3A_90 : f32 to vector<1x2048xf32>
    %sub3A_92 = arith.subf %slice3A_7, %sub3A_91 : vector<1x2048xf32>
    %abs3A = math.absf %sub3A_92 : vector<1x2048xf32>
    %mul3A_93 = arith.mulf %abs3A, %abs3A : vector<1x2048xf32>
    %mul3A_94 = arith.mulf %mul3A_93, %abs3A : vector<1x2048xf32>
    %mul3A_95 = arith.constant 1.16666663 : f32
    %mul3A_96 = vector.broadcast %mul3A_95 : f32 to vector<1x2048xf32>
    %mul3A_97 = arith.mulf %mul3A_96, %mul3A_94 : vector<1x2048xf32>
    %mul3A_98 = arith.constant 2.000000e+00 : f32
    %mul3A_99 = vector.broadcast %mul3A_98 : f32 to vector<1x2048xf32>
    %mul3A_100 = arith.mulf %mul3A_99, %mul3A_93 : vector<1x2048xf32>
    %sub3A_101 = arith.subf %mul3A_97, %mul3A_100 : vector<1x2048xf32>
    %add3A_102 = arith.constant 0.888888895 : f32
    %add3A_103 = vector.broadcast %add3A_102 : f32 to vector<1x2048xf32>
    %add3A_104 = arith.addf %sub3A_101, %add3A_103 : vector<1x2048xf32>
    %mul3A_105 = arith.constant -0.388888896 : f32
    %mul3A_106 = vector.broadcast %mul3A_105 : f32 to vector<1x2048xf32>
    %mul3A_107 = arith.mulf %mul3A_106, %mul3A_94 : vector<1x2048xf32>
    %mul3A_108 = arith.constant 2.000000e+00 : f32
    %mul3A_109 = vector.broadcast %mul3A_108 : f32 to vector<1x2048xf32>
    %mul3A_110 = arith.mulf %mul3A_109, %mul3A_93 : vector<1x2048xf32>
    %add3A_111 = arith.addf %mul3A_107, %mul3A_110 : vector<1x2048xf32>
    %mul3A_112 = arith.constant 3.33333325 : f32
    %mul3A_113 = vector.broadcast %mul3A_112 : f32 to vector<1x2048xf32>
    %mul3A_114 = arith.mulf %mul3A_113, %abs3A : vector<1x2048xf32>
    %sub3A_115 = arith.subf %add3A_111, %mul3A_114 : vector<1x2048xf32>
    %add3A_116 = arith.constant 1.77777779 : f32
    %add3A_117 = vector.broadcast %add3A_116 : f32 to vector<1x2048xf32>
    %add3A_118 = arith.addf %sub3A_115, %add3A_117 : vector<1x2048xf32>
    %lt3A = arith.constant 1.000000e+00 : f32
    %lt3A_119 = vector.broadcast %lt3A : f32 to vector<1x2048xf32>
    %lt3A_120 = arith.cmpf olt, %abs3A, %lt3A_119 : vector<1x2048xf32>
    %convert_element_type3A_121 = arith.extui %lt3A_120 : vector<1x2048xi1> to vector<1x2048xi32>
    %convert_element_type3A_122 = arith.sitofp %convert_element_type3A_121 : vector<1x2048xi32> to vector<1x2048xf32>
    %ge3A_123 = arith.constant 1.000000e+00 : f32
    %ge3A_124 = vector.broadcast %ge3A_123 : f32 to vector<1x2048xf32>
    %ge3A_125 = arith.cmpf oge, %abs3A, %ge3A_124 : vector<1x2048xf32>
    %lt3A_126 = arith.constant 2.000000e+00 : f32
    %lt3A_127 = vector.broadcast %lt3A_126 : f32 to vector<1x2048xf32>
    %lt3A_128 = arith.cmpf olt, %abs3A, %lt3A_127 : vector<1x2048xf32>
    %and3A = arith.andi %ge3A_125, %lt3A_128 : vector<1x2048xi1>
    %convert_element_type3A_129 = arith.extui %and3A : vector<1x2048xi1> to vector<1x2048xi32>
    %convert_element_type3A_130 = arith.sitofp %convert_element_type3A_129 : vector<1x2048xi32> to vector<1x2048xf32>
    %mul3A_131 = arith.mulf %add3A_104, %convert_element_type3A_122 : vector<1x2048xf32>
    %mul3A_132 = arith.mulf %add3A_118, %convert_element_type3A_130 : vector<1x2048xf32>
    %add3A_133 = arith.addf %mul3A_131, %mul3A_132 : vector<1x2048xf32>
    %sub3A_134 = arith.constant -1.000000e+00 : f32
    %sub3A_135 = vector.broadcast %sub3A_134 : f32 to vector<1x2048xf32>
    %sub3A_136 = arith.subf %slice3A_7, %sub3A_135 : vector<1x2048xf32>
    %abs3A_137 = math.absf %sub3A_136 : vector<1x2048xf32>
    %mul3A_138 = arith.mulf %abs3A_137, %abs3A_137 : vector<1x2048xf32>
    %mul3A_139 = arith.mulf %mul3A_138, %abs3A_137 : vector<1x2048xf32>
    %mul3A_140 = arith.constant 1.16666663 : f32
    %mul3A_141 = vector.broadcast %mul3A_140 : f32 to vector<1x2048xf32>
    %mul3A_142 = arith.mulf %mul3A_141, %mul3A_139 : vector<1x2048xf32>
    %mul3A_143 = arith.constant 2.000000e+00 : f32
    %mul3A_144 = vector.broadcast %mul3A_143 : f32 to vector<1x2048xf32>
    %mul3A_145 = arith.mulf %mul3A_144, %mul3A_138 : vector<1x2048xf32>
    %sub3A_146 = arith.subf %mul3A_142, %mul3A_145 : vector<1x2048xf32>
    %add3A_147 = arith.constant 0.888888895 : f32
    %add3A_148 = vector.broadcast %add3A_147 : f32 to vector<1x2048xf32>
    %add3A_149 = arith.addf %sub3A_146, %add3A_148 : vector<1x2048xf32>
    %mul3A_150 = arith.constant -0.388888896 : f32
    %mul3A_151 = vector.broadcast %mul3A_150 : f32 to vector<1x2048xf32>
    %mul3A_152 = arith.mulf %mul3A_151, %mul3A_139 : vector<1x2048xf32>
    %mul3A_153 = arith.constant 2.000000e+00 : f32
    %mul3A_154 = vector.broadcast %mul3A_153 : f32 to vector<1x2048xf32>
    %mul3A_155 = arith.mulf %mul3A_154, %mul3A_138 : vector<1x2048xf32>
    %add3A_156 = arith.addf %mul3A_152, %mul3A_155 : vector<1x2048xf32>
    %mul3A_157 = arith.constant 3.33333325 : f32
    %mul3A_158 = vector.broadcast %mul3A_157 : f32 to vector<1x2048xf32>
    %mul3A_159 = arith.mulf %mul3A_158, %abs3A_137 : vector<1x2048xf32>
    %sub3A_160 = arith.subf %add3A_156, %mul3A_159 : vector<1x2048xf32>
    %add3A_161 = arith.constant 1.77777779 : f32
    %add3A_162 = vector.broadcast %add3A_161 : f32 to vector<1x2048xf32>
    %add3A_163 = arith.addf %sub3A_160, %add3A_162 : vector<1x2048xf32>
    %lt3A_164 = arith.constant 1.000000e+00 : f32
    %lt3A_165 = vector.broadcast %lt3A_164 : f32 to vector<1x2048xf32>
    %lt3A_166 = arith.cmpf olt, %abs3A_137, %lt3A_165 : vector<1x2048xf32>
    %convert_element_type3A_167 = arith.extui %lt3A_166 : vector<1x2048xi1> to vector<1x2048xi32>
    %convert_element_type3A_168 = arith.sitofp %convert_element_type3A_167 : vector<1x2048xi32> to vector<1x2048xf32>
    %ge3A_169 = arith.constant 1.000000e+00 : f32
    %ge3A_170 = vector.broadcast %ge3A_169 : f32 to vector<1x2048xf32>
    %ge3A_171 = arith.cmpf oge, %abs3A_137, %ge3A_170 : vector<1x2048xf32>
    %lt3A_172 = arith.constant 2.000000e+00 : f32
    %lt3A_173 = vector.broadcast %lt3A_172 : f32 to vector<1x2048xf32>
    %lt3A_174 = arith.cmpf olt, %abs3A_137, %lt3A_173 : vector<1x2048xf32>
    %and3A_175 = arith.andi %ge3A_171, %lt3A_174 : vector<1x2048xi1>
    %convert_element_type3A_176 = arith.extui %and3A_175 : vector<1x2048xi1> to vector<1x2048xi32>
    %convert_element_type3A_177 = arith.sitofp %convert_element_type3A_176 : vector<1x2048xi32> to vector<1x2048xf32>
    %mul3A_178 = arith.mulf %add3A_149, %convert_element_type3A_168 : vector<1x2048xf32>
    %mul3A_179 = arith.mulf %add3A_163, %convert_element_type3A_177 : vector<1x2048xf32>
    %add3A_180 = arith.addf %mul3A_178, %mul3A_179 : vector<1x2048xf32>
    %sub3A_181 = arith.constant 0.000000e+00 : f32
    %sub3A_182 = vector.broadcast %sub3A_181 : f32 to vector<1x2048xf32>
    %sub3A_183 = arith.subf %slice3A_7, %sub3A_182 : vector<1x2048xf32>
    %abs3A_184 = math.absf %sub3A_183 : vector<1x2048xf32>
    %mul3A_185 = arith.mulf %abs3A_184, %abs3A_184 : vector<1x2048xf32>
    %mul3A_186 = arith.mulf %mul3A_185, %abs3A_184 : vector<1x2048xf32>
    %mul3A_187 = arith.constant 1.16666663 : f32
    %mul3A_188 = vector.broadcast %mul3A_187 : f32 to vector<1x2048xf32>
    %mul3A_189 = arith.mulf %mul3A_188, %mul3A_186 : vector<1x2048xf32>
    %mul3A_190 = arith.constant 2.000000e+00 : f32
    %mul3A_191 = vector.broadcast %mul3A_190 : f32 to vector<1x2048xf32>
    %mul3A_192 = arith.mulf %mul3A_191, %mul3A_185 : vector<1x2048xf32>
    %sub3A_193 = arith.subf %mul3A_189, %mul3A_192 : vector<1x2048xf32>
    %add3A_194 = arith.constant 0.888888895 : f32
    %add3A_195 = vector.broadcast %add3A_194 : f32 to vector<1x2048xf32>
    %add3A_196 = arith.addf %sub3A_193, %add3A_195 : vector<1x2048xf32>
    %mul3A_197 = arith.constant -0.388888896 : f32
    %mul3A_198 = vector.broadcast %mul3A_197 : f32 to vector<1x2048xf32>
    %mul3A_199 = arith.mulf %mul3A_198, %mul3A_186 : vector<1x2048xf32>
    %mul3A_200 = arith.constant 2.000000e+00 : f32
    %mul3A_201 = vector.broadcast %mul3A_200 : f32 to vector<1x2048xf32>
    %mul3A_202 = arith.mulf %mul3A_201, %mul3A_185 : vector<1x2048xf32>
    %add3A_203 = arith.addf %mul3A_199, %mul3A_202 : vector<1x2048xf32>
    %mul3A_204 = arith.constant 3.33333325 : f32
    %mul3A_205 = vector.broadcast %mul3A_204 : f32 to vector<1x2048xf32>
    %mul3A_206 = arith.mulf %mul3A_205, %abs3A_184 : vector<1x2048xf32>
    %sub3A_207 = arith.subf %add3A_203, %mul3A_206 : vector<1x2048xf32>
    %add3A_208 = arith.constant 1.77777779 : f32
    %add3A_209 = vector.broadcast %add3A_208 : f32 to vector<1x2048xf32>
    %add3A_210 = arith.addf %sub3A_207, %add3A_209 : vector<1x2048xf32>
    %lt3A_211 = arith.constant 1.000000e+00 : f32
    %lt3A_212 = vector.broadcast %lt3A_211 : f32 to vector<1x2048xf32>
    %lt3A_213 = arith.cmpf olt, %abs3A_184, %lt3A_212 : vector<1x2048xf32>
    %convert_element_type3A_214 = arith.extui %lt3A_213 : vector<1x2048xi1> to vector<1x2048xi32>
    %convert_element_type3A_215 = arith.sitofp %convert_element_type3A_214 : vector<1x2048xi32> to vector<1x2048xf32>
    %ge3A_216 = arith.constant 1.000000e+00 : f32
    %ge3A_217 = vector.broadcast %ge3A_216 : f32 to vector<1x2048xf32>
    %ge3A_218 = arith.cmpf oge, %abs3A_184, %ge3A_217 : vector<1x2048xf32>
    %lt3A_219 = arith.constant 2.000000e+00 : f32
    %lt3A_220 = vector.broadcast %lt3A_219 : f32 to vector<1x2048xf32>
    %lt3A_221 = arith.cmpf olt, %abs3A_184, %lt3A_220 : vector<1x2048xf32>
    %and3A_222 = arith.andi %ge3A_218, %lt3A_221 : vector<1x2048xi1>
    %convert_element_type3A_223 = arith.extui %and3A_222 : vector<1x2048xi1> to vector<1x2048xi32>
    %convert_element_type3A_224 = arith.sitofp %convert_element_type3A_223 : vector<1x2048xi32> to vector<1x2048xf32>
    %mul3A_225 = arith.mulf %add3A_196, %convert_element_type3A_215 : vector<1x2048xf32>
    %mul3A_226 = arith.mulf %add3A_210, %convert_element_type3A_224 : vector<1x2048xf32>
    %add3A_227 = arith.addf %mul3A_225, %mul3A_226 : vector<1x2048xf32>
    %sub3A_228 = arith.constant 1.000000e+00 : f32
    %sub3A_229 = vector.broadcast %sub3A_228 : f32 to vector<1x2048xf32>
    %sub3A_230 = arith.subf %slice3A_7, %sub3A_229 : vector<1x2048xf32>
    %abs3A_231 = math.absf %sub3A_230 : vector<1x2048xf32>
    %mul3A_232 = arith.mulf %abs3A_231, %abs3A_231 : vector<1x2048xf32>
    %mul3A_233 = arith.mulf %mul3A_232, %abs3A_231 : vector<1x2048xf32>
    %mul3A_234 = arith.constant 1.16666663 : f32
    %mul3A_235 = vector.broadcast %mul3A_234 : f32 to vector<1x2048xf32>
    %mul3A_236 = arith.mulf %mul3A_235, %mul3A_233 : vector<1x2048xf32>
    %mul3A_237 = arith.constant 2.000000e+00 : f32
    %mul3A_238 = vector.broadcast %mul3A_237 : f32 to vector<1x2048xf32>
    %mul3A_239 = arith.mulf %mul3A_238, %mul3A_232 : vector<1x2048xf32>
    %sub3A_240 = arith.subf %mul3A_236, %mul3A_239 : vector<1x2048xf32>
    %add3A_241 = arith.constant 0.888888895 : f32
    %add3A_242 = vector.broadcast %add3A_241 : f32 to vector<1x2048xf32>
    %add3A_243 = arith.addf %sub3A_240, %add3A_242 : vector<1x2048xf32>
    %mul3A_244 = arith.constant -0.388888896 : f32
    %mul3A_245 = vector.broadcast %mul3A_244 : f32 to vector<1x2048xf32>
    %mul3A_246 = arith.mulf %mul3A_245, %mul3A_233 : vector<1x2048xf32>
    %mul3A_247 = arith.constant 2.000000e+00 : f32
    %mul3A_248 = vector.broadcast %mul3A_247 : f32 to vector<1x2048xf32>
    %mul3A_249 = arith.mulf %mul3A_248, %mul3A_232 : vector<1x2048xf32>
    %add3A_250 = arith.addf %mul3A_246, %mul3A_249 : vector<1x2048xf32>
    %mul3A_251 = arith.constant 3.33333325 : f32
    %mul3A_252 = vector.broadcast %mul3A_251 : f32 to vector<1x2048xf32>
    %mul3A_253 = arith.mulf %mul3A_252, %abs3A_231 : vector<1x2048xf32>
    %sub3A_254 = arith.subf %add3A_250, %mul3A_253 : vector<1x2048xf32>
    %add3A_255 = arith.constant 1.77777779 : f32
    %add3A_256 = vector.broadcast %add3A_255 : f32 to vector<1x2048xf32>
    %add3A_257 = arith.addf %sub3A_254, %add3A_256 : vector<1x2048xf32>
    %lt3A_258 = arith.constant 1.000000e+00 : f32
    %lt3A_259 = vector.broadcast %lt3A_258 : f32 to vector<1x2048xf32>
    %lt3A_260 = arith.cmpf olt, %abs3A_231, %lt3A_259 : vector<1x2048xf32>
    %convert_element_type3A_261 = arith.extui %lt3A_260 : vector<1x2048xi1> to vector<1x2048xi32>
    %convert_element_type3A_262 = arith.sitofp %convert_element_type3A_261 : vector<1x2048xi32> to vector<1x2048xf32>
    %ge3A_263 = arith.constant 1.000000e+00 : f32
    %ge3A_264 = vector.broadcast %ge3A_263 : f32 to vector<1x2048xf32>
    %ge3A_265 = arith.cmpf oge, %abs3A_231, %ge3A_264 : vector<1x2048xf32>
    %lt3A_266 = arith.constant 2.000000e+00 : f32
    %lt3A_267 = vector.broadcast %lt3A_266 : f32 to vector<1x2048xf32>
    %lt3A_268 = arith.cmpf olt, %abs3A_231, %lt3A_267 : vector<1x2048xf32>
    %and3A_269 = arith.andi %ge3A_265, %lt3A_268 : vector<1x2048xi1>
    %convert_element_type3A_270 = arith.extui %and3A_269 : vector<1x2048xi1> to vector<1x2048xi32>
    %convert_element_type3A_271 = arith.sitofp %convert_element_type3A_270 : vector<1x2048xi32> to vector<1x2048xf32>
    %mul3A_272 = arith.mulf %add3A_243, %convert_element_type3A_262 : vector<1x2048xf32>
    %mul3A_273 = arith.mulf %add3A_257, %convert_element_type3A_271 : vector<1x2048xf32>
    %add3A_274 = arith.addf %mul3A_272, %mul3A_273 : vector<1x2048xf32>
    %sub3A_275 = arith.constant 2.000000e+00 : f32
    %sub3A_276 = vector.broadcast %sub3A_275 : f32 to vector<1x2048xf32>
    %sub3A_277 = arith.subf %slice3A_7, %sub3A_276 : vector<1x2048xf32>
    %abs3A_278 = math.absf %sub3A_277 : vector<1x2048xf32>
    %mul3A_279 = arith.mulf %abs3A_278, %abs3A_278 : vector<1x2048xf32>
    %mul3A_280 = arith.mulf %mul3A_279, %abs3A_278 : vector<1x2048xf32>
    %mul3A_281 = arith.constant 1.16666663 : f32
    %mul3A_282 = vector.broadcast %mul3A_281 : f32 to vector<1x2048xf32>
    %mul3A_283 = arith.mulf %mul3A_282, %mul3A_280 : vector<1x2048xf32>
    %mul3A_284 = arith.constant 2.000000e+00 : f32
    %mul3A_285 = vector.broadcast %mul3A_284 : f32 to vector<1x2048xf32>
    %mul3A_286 = arith.mulf %mul3A_285, %mul3A_279 : vector<1x2048xf32>
    %sub3A_287 = arith.subf %mul3A_283, %mul3A_286 : vector<1x2048xf32>
    %add3A_288 = arith.constant 0.888888895 : f32
    %add3A_289 = vector.broadcast %add3A_288 : f32 to vector<1x2048xf32>
    %add3A_290 = arith.addf %sub3A_287, %add3A_289 : vector<1x2048xf32>
    %mul3A_291 = arith.constant -0.388888896 : f32
    %mul3A_292 = vector.broadcast %mul3A_291 : f32 to vector<1x2048xf32>
    %mul3A_293 = arith.mulf %mul3A_292, %mul3A_280 : vector<1x2048xf32>
    %mul3A_294 = arith.constant 2.000000e+00 : f32
    %mul3A_295 = vector.broadcast %mul3A_294 : f32 to vector<1x2048xf32>
    %mul3A_296 = arith.mulf %mul3A_295, %mul3A_279 : vector<1x2048xf32>
    %add3A_297 = arith.addf %mul3A_293, %mul3A_296 : vector<1x2048xf32>
    %mul3A_298 = arith.constant 3.33333325 : f32
    %mul3A_299 = vector.broadcast %mul3A_298 : f32 to vector<1x2048xf32>
    %mul3A_300 = arith.mulf %mul3A_299, %abs3A_278 : vector<1x2048xf32>
    %sub3A_301 = arith.subf %add3A_297, %mul3A_300 : vector<1x2048xf32>
    %add3A_302 = arith.constant 1.77777779 : f32
    %add3A_303 = vector.broadcast %add3A_302 : f32 to vector<1x2048xf32>
    %add3A_304 = arith.addf %sub3A_301, %add3A_303 : vector<1x2048xf32>
    %lt3A_305 = arith.constant 1.000000e+00 : f32
    %lt3A_306 = vector.broadcast %lt3A_305 : f32 to vector<1x2048xf32>
    %lt3A_307 = arith.cmpf olt, %abs3A_278, %lt3A_306 : vector<1x2048xf32>
    %convert_element_type3A_308 = arith.extui %lt3A_307 : vector<1x2048xi1> to vector<1x2048xi32>
    %convert_element_type3A_309 = arith.sitofp %convert_element_type3A_308 : vector<1x2048xi32> to vector<1x2048xf32>
    %ge3A_310 = arith.constant 1.000000e+00 : f32
    %ge3A_311 = vector.broadcast %ge3A_310 : f32 to vector<1x2048xf32>
    %ge3A_312 = arith.cmpf oge, %abs3A_278, %ge3A_311 : vector<1x2048xf32>
    %lt3A_313 = arith.constant 2.000000e+00 : f32
    %lt3A_314 = vector.broadcast %lt3A_313 : f32 to vector<1x2048xf32>
    %lt3A_315 = arith.cmpf olt, %abs3A_278, %lt3A_314 : vector<1x2048xf32>
    %and3A_316 = arith.andi %ge3A_312, %lt3A_315 : vector<1x2048xi1>
    %convert_element_type3A_317 = arith.extui %and3A_316 : vector<1x2048xi1> to vector<1x2048xi32>
    %convert_element_type3A_318 = arith.sitofp %convert_element_type3A_317 : vector<1x2048xi32> to vector<1x2048xf32>
    %mul3A_319 = arith.mulf %add3A_290, %convert_element_type3A_309 : vector<1x2048xf32>
    %mul3A_320 = arith.mulf %add3A_304, %convert_element_type3A_318 : vector<1x2048xf32>
    %add3A_321 = arith.addf %mul3A_319, %mul3A_320 : vector<1x2048xf32>
    %sub3A_322 = arith.constant 3.000000e+00 : f32
    %sub3A_323 = vector.broadcast %sub3A_322 : f32 to vector<1x2048xf32>
    %sub3A_324 = arith.subf %slice3A_7, %sub3A_323 : vector<1x2048xf32>
    %abs3A_325 = math.absf %sub3A_324 : vector<1x2048xf32>
    %mul3A_326 = arith.mulf %abs3A_325, %abs3A_325 : vector<1x2048xf32>
    %mul3A_327 = arith.mulf %mul3A_326, %abs3A_325 : vector<1x2048xf32>
    %mul3A_328 = arith.constant 1.16666663 : f32
    %mul3A_329 = vector.broadcast %mul3A_328 : f32 to vector<1x2048xf32>
    %mul3A_330 = arith.mulf %mul3A_329, %mul3A_327 : vector<1x2048xf32>
    %mul3A_331 = arith.constant 2.000000e+00 : f32
    %mul3A_332 = vector.broadcast %mul3A_331 : f32 to vector<1x2048xf32>
    %mul3A_333 = arith.mulf %mul3A_332, %mul3A_326 : vector<1x2048xf32>
    %sub3A_334 = arith.subf %mul3A_330, %mul3A_333 : vector<1x2048xf32>
    %add3A_335 = arith.constant 0.888888895 : f32
    %add3A_336 = vector.broadcast %add3A_335 : f32 to vector<1x2048xf32>
    %add3A_337 = arith.addf %sub3A_334, %add3A_336 : vector<1x2048xf32>
    %mul3A_338 = arith.constant -0.388888896 : f32
    %mul3A_339 = vector.broadcast %mul3A_338 : f32 to vector<1x2048xf32>
    %mul3A_340 = arith.mulf %mul3A_339, %mul3A_327 : vector<1x2048xf32>
    %mul3A_341 = arith.constant 2.000000e+00 : f32
    %mul3A_342 = vector.broadcast %mul3A_341 : f32 to vector<1x2048xf32>
    %mul3A_343 = arith.mulf %mul3A_342, %mul3A_326 : vector<1x2048xf32>
    %add3A_344 = arith.addf %mul3A_340, %mul3A_343 : vector<1x2048xf32>
    %mul3A_345 = arith.constant 3.33333325 : f32
    %mul3A_346 = vector.broadcast %mul3A_345 : f32 to vector<1x2048xf32>
    %mul3A_347 = arith.mulf %mul3A_346, %abs3A_325 : vector<1x2048xf32>
    %sub3A_348 = arith.subf %add3A_344, %mul3A_347 : vector<1x2048xf32>
    %add3A_349 = arith.constant 1.77777779 : f32
    %add3A_350 = vector.broadcast %add3A_349 : f32 to vector<1x2048xf32>
    %add3A_351 = arith.addf %sub3A_348, %add3A_350 : vector<1x2048xf32>
    %lt3A_352 = arith.constant 1.000000e+00 : f32
    %lt3A_353 = vector.broadcast %lt3A_352 : f32 to vector<1x2048xf32>
    %lt3A_354 = arith.cmpf olt, %abs3A_325, %lt3A_353 : vector<1x2048xf32>
    %convert_element_type3A_355 = arith.extui %lt3A_354 : vector<1x2048xi1> to vector<1x2048xi32>
    %convert_element_type3A_356 = arith.sitofp %convert_element_type3A_355 : vector<1x2048xi32> to vector<1x2048xf32>
    %ge3A_357 = arith.constant 1.000000e+00 : f32
    %ge3A_358 = vector.broadcast %ge3A_357 : f32 to vector<1x2048xf32>
    %ge3A_359 = arith.cmpf oge, %abs3A_325, %ge3A_358 : vector<1x2048xf32>
    %lt3A_360 = arith.constant 2.000000e+00 : f32
    %lt3A_361 = vector.broadcast %lt3A_360 : f32 to vector<1x2048xf32>
    %lt3A_362 = arith.cmpf olt, %abs3A_325, %lt3A_361 : vector<1x2048xf32>
    %and3A_363 = arith.andi %ge3A_359, %lt3A_362 : vector<1x2048xi1>
    %convert_element_type3A_364 = arith.extui %and3A_363 : vector<1x2048xi1> to vector<1x2048xi32>
    %convert_element_type3A_365 = arith.sitofp %convert_element_type3A_364 : vector<1x2048xi32> to vector<1x2048xf32>
    %mul3A_366 = arith.mulf %add3A_337, %convert_element_type3A_356 : vector<1x2048xf32>
    %mul3A_367 = arith.mulf %add3A_351, %convert_element_type3A_365 : vector<1x2048xf32>
    %add3A_368 = arith.addf %mul3A_366, %mul3A_367 : vector<1x2048xf32>
    %sub3A_369 = arith.constant 4.000000e+00 : f32
    %sub3A_370 = vector.broadcast %sub3A_369 : f32 to vector<1x2048xf32>
    %sub3A_371 = arith.subf %slice3A_7, %sub3A_370 : vector<1x2048xf32>
    %abs3A_372 = math.absf %sub3A_371 : vector<1x2048xf32>
    %mul3A_373 = arith.mulf %abs3A_372, %abs3A_372 : vector<1x2048xf32>
    %mul3A_374 = arith.mulf %mul3A_373, %abs3A_372 : vector<1x2048xf32>
    %mul3A_375 = arith.constant 1.16666663 : f32
    %mul3A_376 = vector.broadcast %mul3A_375 : f32 to vector<1x2048xf32>
    %mul3A_377 = arith.mulf %mul3A_376, %mul3A_374 : vector<1x2048xf32>
    %mul3A_378 = arith.constant 2.000000e+00 : f32
    %mul3A_379 = vector.broadcast %mul3A_378 : f32 to vector<1x2048xf32>
    %mul3A_380 = arith.mulf %mul3A_379, %mul3A_373 : vector<1x2048xf32>
    %sub3A_381 = arith.subf %mul3A_377, %mul3A_380 : vector<1x2048xf32>
    %add3A_382 = arith.constant 0.888888895 : f32
    %add3A_383 = vector.broadcast %add3A_382 : f32 to vector<1x2048xf32>
    %add3A_384 = arith.addf %sub3A_381, %add3A_383 : vector<1x2048xf32>
    %mul3A_385 = arith.constant -0.388888896 : f32
    %mul3A_386 = vector.broadcast %mul3A_385 : f32 to vector<1x2048xf32>
    %mul3A_387 = arith.mulf %mul3A_386, %mul3A_374 : vector<1x2048xf32>
    %mul3A_388 = arith.constant 2.000000e+00 : f32
    %mul3A_389 = vector.broadcast %mul3A_388 : f32 to vector<1x2048xf32>
    %mul3A_390 = arith.mulf %mul3A_389, %mul3A_373 : vector<1x2048xf32>
    %add3A_391 = arith.addf %mul3A_387, %mul3A_390 : vector<1x2048xf32>
    %mul3A_392 = arith.constant 3.33333325 : f32
    %mul3A_393 = vector.broadcast %mul3A_392 : f32 to vector<1x2048xf32>
    %mul3A_394 = arith.mulf %mul3A_393, %abs3A_372 : vector<1x2048xf32>
    %sub3A_395 = arith.subf %add3A_391, %mul3A_394 : vector<1x2048xf32>
    %add3A_396 = arith.constant 1.77777779 : f32
    %add3A_397 = vector.broadcast %add3A_396 : f32 to vector<1x2048xf32>
    %add3A_398 = arith.addf %sub3A_395, %add3A_397 : vector<1x2048xf32>
    %lt3A_399 = arith.constant 1.000000e+00 : f32
    %lt3A_400 = vector.broadcast %lt3A_399 : f32 to vector<1x2048xf32>
    %lt3A_401 = arith.cmpf olt, %abs3A_372, %lt3A_400 : vector<1x2048xf32>
    %convert_element_type3A_402 = arith.extui %lt3A_401 : vector<1x2048xi1> to vector<1x2048xi32>
    %convert_element_type3A_403 = arith.sitofp %convert_element_type3A_402 : vector<1x2048xi32> to vector<1x2048xf32>
    %ge3A_404 = arith.constant 1.000000e+00 : f32
    %ge3A_405 = vector.broadcast %ge3A_404 : f32 to vector<1x2048xf32>
    %ge3A_406 = arith.cmpf oge, %abs3A_372, %ge3A_405 : vector<1x2048xf32>
    %lt3A_407 = arith.constant 2.000000e+00 : f32
    %lt3A_408 = vector.broadcast %lt3A_407 : f32 to vector<1x2048xf32>
    %lt3A_409 = arith.cmpf olt, %abs3A_372, %lt3A_408 : vector<1x2048xf32>
    %and3A_410 = arith.andi %ge3A_406, %lt3A_409 : vector<1x2048xi1>
    %convert_element_type3A_411 = arith.extui %and3A_410 : vector<1x2048xi1> to vector<1x2048xi32>
    %convert_element_type3A_412 = arith.sitofp %convert_element_type3A_411 : vector<1x2048xi32> to vector<1x2048xf32>
    %mul3A_413 = arith.mulf %add3A_384, %convert_element_type3A_403 : vector<1x2048xf32>
    %mul3A_414 = arith.mulf %add3A_398, %convert_element_type3A_412 : vector<1x2048xf32>
    %add3A_415 = arith.addf %mul3A_413, %mul3A_414 : vector<1x2048xf32>
    %sub3A_416 = arith.constant -2.000000e+00 : f32
    %sub3A_417 = vector.broadcast %sub3A_416 : f32 to vector<1x2048xf32>
    %sub3A_418 = arith.subf %slice3A_8, %sub3A_417 : vector<1x2048xf32>
    %abs3A_419 = math.absf %sub3A_418 : vector<1x2048xf32>
    %mul3A_420 = arith.mulf %abs3A_419, %abs3A_419 : vector<1x2048xf32>
    %mul3A_421 = arith.mulf %mul3A_420, %abs3A_419 : vector<1x2048xf32>
    %mul3A_422 = arith.constant 1.16666663 : f32
    %mul3A_423 = vector.broadcast %mul3A_422 : f32 to vector<1x2048xf32>
    %mul3A_424 = arith.mulf %mul3A_423, %mul3A_421 : vector<1x2048xf32>
    %mul3A_425 = arith.constant 2.000000e+00 : f32
    %mul3A_426 = vector.broadcast %mul3A_425 : f32 to vector<1x2048xf32>
    %mul3A_427 = arith.mulf %mul3A_426, %mul3A_420 : vector<1x2048xf32>
    %sub3A_428 = arith.subf %mul3A_424, %mul3A_427 : vector<1x2048xf32>
    %add3A_429 = arith.constant 0.888888895 : f32
    %add3A_430 = vector.broadcast %add3A_429 : f32 to vector<1x2048xf32>
    %add3A_431 = arith.addf %sub3A_428, %add3A_430 : vector<1x2048xf32>
    %mul3A_432 = arith.constant -0.388888896 : f32
    %mul3A_433 = vector.broadcast %mul3A_432 : f32 to vector<1x2048xf32>
    %mul3A_434 = arith.mulf %mul3A_433, %mul3A_421 : vector<1x2048xf32>
    %mul3A_435 = arith.constant 2.000000e+00 : f32
    %mul3A_436 = vector.broadcast %mul3A_435 : f32 to vector<1x2048xf32>
    %mul3A_437 = arith.mulf %mul3A_436, %mul3A_420 : vector<1x2048xf32>
    %add3A_438 = arith.addf %mul3A_434, %mul3A_437 : vector<1x2048xf32>
    %mul3A_439 = arith.constant 3.33333325 : f32
    %mul3A_440 = vector.broadcast %mul3A_439 : f32 to vector<1x2048xf32>
    %mul3A_441 = arith.mulf %mul3A_440, %abs3A_419 : vector<1x2048xf32>
    %sub3A_442 = arith.subf %add3A_438, %mul3A_441 : vector<1x2048xf32>
    %add3A_443 = arith.constant 1.77777779 : f32
    %add3A_444 = vector.broadcast %add3A_443 : f32 to vector<1x2048xf32>
    %add3A_445 = arith.addf %sub3A_442, %add3A_444 : vector<1x2048xf32>
    %lt3A_446 = arith.constant 1.000000e+00 : f32
    %lt3A_447 = vector.broadcast %lt3A_446 : f32 to vector<1x2048xf32>
    %lt3A_448 = arith.cmpf olt, %abs3A_419, %lt3A_447 : vector<1x2048xf32>
    %convert_element_type3A_449 = arith.extui %lt3A_448 : vector<1x2048xi1> to vector<1x2048xi32>
    %convert_element_type3A_450 = arith.sitofp %convert_element_type3A_449 : vector<1x2048xi32> to vector<1x2048xf32>
    %ge3A_451 = arith.constant 1.000000e+00 : f32
    %ge3A_452 = vector.broadcast %ge3A_451 : f32 to vector<1x2048xf32>
    %ge3A_453 = arith.cmpf oge, %abs3A_419, %ge3A_452 : vector<1x2048xf32>
    %lt3A_454 = arith.constant 2.000000e+00 : f32
    %lt3A_455 = vector.broadcast %lt3A_454 : f32 to vector<1x2048xf32>
    %lt3A_456 = arith.cmpf olt, %abs3A_419, %lt3A_455 : vector<1x2048xf32>
    %and3A_457 = arith.andi %ge3A_453, %lt3A_456 : vector<1x2048xi1>
    %convert_element_type3A_458 = arith.extui %and3A_457 : vector<1x2048xi1> to vector<1x2048xi32>
    %convert_element_type3A_459 = arith.sitofp %convert_element_type3A_458 : vector<1x2048xi32> to vector<1x2048xf32>
    %mul3A_460 = arith.mulf %add3A_431, %convert_element_type3A_450 : vector<1x2048xf32>
    %mul3A_461 = arith.mulf %add3A_445, %convert_element_type3A_459 : vector<1x2048xf32>
    %add3A_462 = arith.addf %mul3A_460, %mul3A_461 : vector<1x2048xf32>
    %sub3A_463 = arith.constant -1.000000e+00 : f32
    %sub3A_464 = vector.broadcast %sub3A_463 : f32 to vector<1x2048xf32>
    %sub3A_465 = arith.subf %slice3A_8, %sub3A_464 : vector<1x2048xf32>
    %abs3A_466 = math.absf %sub3A_465 : vector<1x2048xf32>
    %mul3A_467 = arith.mulf %abs3A_466, %abs3A_466 : vector<1x2048xf32>
    %mul3A_468 = arith.mulf %mul3A_467, %abs3A_466 : vector<1x2048xf32>
    %mul3A_469 = arith.constant 1.16666663 : f32
    %mul3A_470 = vector.broadcast %mul3A_469 : f32 to vector<1x2048xf32>
    %mul3A_471 = arith.mulf %mul3A_470, %mul3A_468 : vector<1x2048xf32>
    %mul3A_472 = arith.constant 2.000000e+00 : f32
    %mul3A_473 = vector.broadcast %mul3A_472 : f32 to vector<1x2048xf32>
    %mul3A_474 = arith.mulf %mul3A_473, %mul3A_467 : vector<1x2048xf32>
    %sub3A_475 = arith.subf %mul3A_471, %mul3A_474 : vector<1x2048xf32>
    %add3A_476 = arith.constant 0.888888895 : f32
    %add3A_477 = vector.broadcast %add3A_476 : f32 to vector<1x2048xf32>
    %add3A_478 = arith.addf %sub3A_475, %add3A_477 : vector<1x2048xf32>
    %mul3A_479 = arith.constant -0.388888896 : f32
    %mul3A_480 = vector.broadcast %mul3A_479 : f32 to vector<1x2048xf32>
    %mul3A_481 = arith.mulf %mul3A_480, %mul3A_468 : vector<1x2048xf32>
    %mul3A_482 = arith.constant 2.000000e+00 : f32
    %mul3A_483 = vector.broadcast %mul3A_482 : f32 to vector<1x2048xf32>
    %mul3A_484 = arith.mulf %mul3A_483, %mul3A_467 : vector<1x2048xf32>
    %add3A_485 = arith.addf %mul3A_481, %mul3A_484 : vector<1x2048xf32>
    %mul3A_486 = arith.constant 3.33333325 : f32
    %mul3A_487 = vector.broadcast %mul3A_486 : f32 to vector<1x2048xf32>
    %mul3A_488 = arith.mulf %mul3A_487, %abs3A_466 : vector<1x2048xf32>
    %sub3A_489 = arith.subf %add3A_485, %mul3A_488 : vector<1x2048xf32>
    %add3A_490 = arith.constant 1.77777779 : f32
    %add3A_491 = vector.broadcast %add3A_490 : f32 to vector<1x2048xf32>
    %add3A_492 = arith.addf %sub3A_489, %add3A_491 : vector<1x2048xf32>
    %lt3A_493 = arith.constant 1.000000e+00 : f32
    %lt3A_494 = vector.broadcast %lt3A_493 : f32 to vector<1x2048xf32>
    %lt3A_495 = arith.cmpf olt, %abs3A_466, %lt3A_494 : vector<1x2048xf32>
    %convert_element_type3A_496 = arith.extui %lt3A_495 : vector<1x2048xi1> to vector<1x2048xi32>
    %convert_element_type3A_497 = arith.sitofp %convert_element_type3A_496 : vector<1x2048xi32> to vector<1x2048xf32>
    %ge3A_498 = arith.constant 1.000000e+00 : f32
    %ge3A_499 = vector.broadcast %ge3A_498 : f32 to vector<1x2048xf32>
    %ge3A_500 = arith.cmpf oge, %abs3A_466, %ge3A_499 : vector<1x2048xf32>
    %lt3A_501 = arith.constant 2.000000e+00 : f32
    %lt3A_502 = vector.broadcast %lt3A_501 : f32 to vector<1x2048xf32>
    %lt3A_503 = arith.cmpf olt, %abs3A_466, %lt3A_502 : vector<1x2048xf32>
    %and3A_504 = arith.andi %ge3A_500, %lt3A_503 : vector<1x2048xi1>
    %convert_element_type3A_505 = arith.extui %and3A_504 : vector<1x2048xi1> to vector<1x2048xi32>
    %convert_element_type3A_506 = arith.sitofp %convert_element_type3A_505 : vector<1x2048xi32> to vector<1x2048xf32>
    %mul3A_507 = arith.mulf %add3A_478, %convert_element_type3A_497 : vector<1x2048xf32>
    %mul3A_508 = arith.mulf %add3A_492, %convert_element_type3A_506 : vector<1x2048xf32>
    %add3A_509 = arith.addf %mul3A_507, %mul3A_508 : vector<1x2048xf32>
    %sub3A_510 = arith.constant 0.000000e+00 : f32
    %sub3A_511 = vector.broadcast %sub3A_510 : f32 to vector<1x2048xf32>
    %sub3A_512 = arith.subf %slice3A_8, %sub3A_511 : vector<1x2048xf32>
    %abs3A_513 = math.absf %sub3A_512 : vector<1x2048xf32>
    %mul3A_514 = arith.mulf %abs3A_513, %abs3A_513 : vector<1x2048xf32>
    %mul3A_515 = arith.mulf %mul3A_514, %abs3A_513 : vector<1x2048xf32>
    %mul3A_516 = arith.constant 1.16666663 : f32
    %mul3A_517 = vector.broadcast %mul3A_516 : f32 to vector<1x2048xf32>
    %mul3A_518 = arith.mulf %mul3A_517, %mul3A_515 : vector<1x2048xf32>
    %mul3A_519 = arith.constant 2.000000e+00 : f32
    %mul3A_520 = vector.broadcast %mul3A_519 : f32 to vector<1x2048xf32>
    %mul3A_521 = arith.mulf %mul3A_520, %mul3A_514 : vector<1x2048xf32>
    %sub3A_522 = arith.subf %mul3A_518, %mul3A_521 : vector<1x2048xf32>
    %add3A_523 = arith.constant 0.888888895 : f32
    %add3A_524 = vector.broadcast %add3A_523 : f32 to vector<1x2048xf32>
    %add3A_525 = arith.addf %sub3A_522, %add3A_524 : vector<1x2048xf32>
    %mul3A_526 = arith.constant -0.388888896 : f32
    %mul3A_527 = vector.broadcast %mul3A_526 : f32 to vector<1x2048xf32>
    %mul3A_528 = arith.mulf %mul3A_527, %mul3A_515 : vector<1x2048xf32>
    %mul3A_529 = arith.constant 2.000000e+00 : f32
    %mul3A_530 = vector.broadcast %mul3A_529 : f32 to vector<1x2048xf32>
    %mul3A_531 = arith.mulf %mul3A_530, %mul3A_514 : vector<1x2048xf32>
    %add3A_532 = arith.addf %mul3A_528, %mul3A_531 : vector<1x2048xf32>
    %mul3A_533 = arith.constant 3.33333325 : f32
    %mul3A_534 = vector.broadcast %mul3A_533 : f32 to vector<1x2048xf32>
    %mul3A_535 = arith.mulf %mul3A_534, %abs3A_513 : vector<1x2048xf32>
    %sub3A_536 = arith.subf %add3A_532, %mul3A_535 : vector<1x2048xf32>
    %add3A_537 = arith.constant 1.77777779 : f32
    %add3A_538 = vector.broadcast %add3A_537 : f32 to vector<1x2048xf32>
    %add3A_539 = arith.addf %sub3A_536, %add3A_538 : vector<1x2048xf32>
    %lt3A_540 = arith.constant 1.000000e+00 : f32
    %lt3A_541 = vector.broadcast %lt3A_540 : f32 to vector<1x2048xf32>
    %lt3A_542 = arith.cmpf olt, %abs3A_513, %lt3A_541 : vector<1x2048xf32>
    %convert_element_type3A_543 = arith.extui %lt3A_542 : vector<1x2048xi1> to vector<1x2048xi32>
    %convert_element_type3A_544 = arith.sitofp %convert_element_type3A_543 : vector<1x2048xi32> to vector<1x2048xf32>
    %ge3A_545 = arith.constant 1.000000e+00 : f32
    %ge3A_546 = vector.broadcast %ge3A_545 : f32 to vector<1x2048xf32>
    %ge3A_547 = arith.cmpf oge, %abs3A_513, %ge3A_546 : vector<1x2048xf32>
    %lt3A_548 = arith.constant 2.000000e+00 : f32
    %lt3A_549 = vector.broadcast %lt3A_548 : f32 to vector<1x2048xf32>
    %lt3A_550 = arith.cmpf olt, %abs3A_513, %lt3A_549 : vector<1x2048xf32>
    %and3A_551 = arith.andi %ge3A_547, %lt3A_550 : vector<1x2048xi1>
    %convert_element_type3A_552 = arith.extui %and3A_551 : vector<1x2048xi1> to vector<1x2048xi32>
    %convert_element_type3A_553 = arith.sitofp %convert_element_type3A_552 : vector<1x2048xi32> to vector<1x2048xf32>
    %mul3A_554 = arith.mulf %add3A_525, %convert_element_type3A_544 : vector<1x2048xf32>
    %mul3A_555 = arith.mulf %add3A_539, %convert_element_type3A_553 : vector<1x2048xf32>
    %add3A_556 = arith.addf %mul3A_554, %mul3A_555 : vector<1x2048xf32>
    %sub3A_557 = arith.constant 1.000000e+00 : f32
    %sub3A_558 = vector.broadcast %sub3A_557 : f32 to vector<1x2048xf32>
    %sub3A_559 = arith.subf %slice3A_8, %sub3A_558 : vector<1x2048xf32>
    %abs3A_560 = math.absf %sub3A_559 : vector<1x2048xf32>
    %mul3A_561 = arith.mulf %abs3A_560, %abs3A_560 : vector<1x2048xf32>
    %mul3A_562 = arith.mulf %mul3A_561, %abs3A_560 : vector<1x2048xf32>
    %mul3A_563 = arith.constant 1.16666663 : f32
    %mul3A_564 = vector.broadcast %mul3A_563 : f32 to vector<1x2048xf32>
    %mul3A_565 = arith.mulf %mul3A_564, %mul3A_562 : vector<1x2048xf32>
    %mul3A_566 = arith.constant 2.000000e+00 : f32
    %mul3A_567 = vector.broadcast %mul3A_566 : f32 to vector<1x2048xf32>
    %mul3A_568 = arith.mulf %mul3A_567, %mul3A_561 : vector<1x2048xf32>
    %sub3A_569 = arith.subf %mul3A_565, %mul3A_568 : vector<1x2048xf32>
    %add3A_570 = arith.constant 0.888888895 : f32
    %add3A_571 = vector.broadcast %add3A_570 : f32 to vector<1x2048xf32>
    %add3A_572 = arith.addf %sub3A_569, %add3A_571 : vector<1x2048xf32>
    %mul3A_573 = arith.constant -0.388888896 : f32
    %mul3A_574 = vector.broadcast %mul3A_573 : f32 to vector<1x2048xf32>
    %mul3A_575 = arith.mulf %mul3A_574, %mul3A_562 : vector<1x2048xf32>
    %mul3A_576 = arith.constant 2.000000e+00 : f32
    %mul3A_577 = vector.broadcast %mul3A_576 : f32 to vector<1x2048xf32>
    %mul3A_578 = arith.mulf %mul3A_577, %mul3A_561 : vector<1x2048xf32>
    %add3A_579 = arith.addf %mul3A_575, %mul3A_578 : vector<1x2048xf32>
    %mul3A_580 = arith.constant 3.33333325 : f32
    %mul3A_581 = vector.broadcast %mul3A_580 : f32 to vector<1x2048xf32>
    %mul3A_582 = arith.mulf %mul3A_581, %abs3A_560 : vector<1x2048xf32>
    %sub3A_583 = arith.subf %add3A_579, %mul3A_582 : vector<1x2048xf32>
    %add3A_584 = arith.constant 1.77777779 : f32
    %add3A_585 = vector.broadcast %add3A_584 : f32 to vector<1x2048xf32>
    %add3A_586 = arith.addf %sub3A_583, %add3A_585 : vector<1x2048xf32>
    %lt3A_587 = arith.constant 1.000000e+00 : f32
    %lt3A_588 = vector.broadcast %lt3A_587 : f32 to vector<1x2048xf32>
    %lt3A_589 = arith.cmpf olt, %abs3A_560, %lt3A_588 : vector<1x2048xf32>
    %convert_element_type3A_590 = arith.extui %lt3A_589 : vector<1x2048xi1> to vector<1x2048xi32>
    %convert_element_type3A_591 = arith.sitofp %convert_element_type3A_590 : vector<1x2048xi32> to vector<1x2048xf32>
    %ge3A_592 = arith.constant 1.000000e+00 : f32
    %ge3A_593 = vector.broadcast %ge3A_592 : f32 to vector<1x2048xf32>
    %ge3A_594 = arith.cmpf oge, %abs3A_560, %ge3A_593 : vector<1x2048xf32>
    %lt3A_595 = arith.constant 2.000000e+00 : f32
    %lt3A_596 = vector.broadcast %lt3A_595 : f32 to vector<1x2048xf32>
    %lt3A_597 = arith.cmpf olt, %abs3A_560, %lt3A_596 : vector<1x2048xf32>
    %and3A_598 = arith.andi %ge3A_594, %lt3A_597 : vector<1x2048xi1>
    %convert_element_type3A_599 = arith.extui %and3A_598 : vector<1x2048xi1> to vector<1x2048xi32>
    %convert_element_type3A_600 = arith.sitofp %convert_element_type3A_599 : vector<1x2048xi32> to vector<1x2048xf32>
    %mul3A_601 = arith.mulf %add3A_572, %convert_element_type3A_591 : vector<1x2048xf32>
    %mul3A_602 = arith.mulf %add3A_586, %convert_element_type3A_600 : vector<1x2048xf32>
    %add3A_603 = arith.addf %mul3A_601, %mul3A_602 : vector<1x2048xf32>
    %sub3A_604 = arith.constant 2.000000e+00 : f32
    %sub3A_605 = vector.broadcast %sub3A_604 : f32 to vector<1x2048xf32>
    %sub3A_606 = arith.subf %slice3A_8, %sub3A_605 : vector<1x2048xf32>
    %abs3A_607 = math.absf %sub3A_606 : vector<1x2048xf32>
    %mul3A_608 = arith.mulf %abs3A_607, %abs3A_607 : vector<1x2048xf32>
    %mul3A_609 = arith.mulf %mul3A_608, %abs3A_607 : vector<1x2048xf32>
    %mul3A_610 = arith.constant 1.16666663 : f32
    %mul3A_611 = vector.broadcast %mul3A_610 : f32 to vector<1x2048xf32>
    %mul3A_612 = arith.mulf %mul3A_611, %mul3A_609 : vector<1x2048xf32>
    %mul3A_613 = arith.constant 2.000000e+00 : f32
    %mul3A_614 = vector.broadcast %mul3A_613 : f32 to vector<1x2048xf32>
    %mul3A_615 = arith.mulf %mul3A_614, %mul3A_608 : vector<1x2048xf32>
    %sub3A_616 = arith.subf %mul3A_612, %mul3A_615 : vector<1x2048xf32>
    %add3A_617 = arith.constant 0.888888895 : f32
    %add3A_618 = vector.broadcast %add3A_617 : f32 to vector<1x2048xf32>
    %add3A_619 = arith.addf %sub3A_616, %add3A_618 : vector<1x2048xf32>
    %mul3A_620 = arith.constant -0.388888896 : f32
    %mul3A_621 = vector.broadcast %mul3A_620 : f32 to vector<1x2048xf32>
    %mul3A_622 = arith.mulf %mul3A_621, %mul3A_609 : vector<1x2048xf32>
    %mul3A_623 = arith.constant 2.000000e+00 : f32
    %mul3A_624 = vector.broadcast %mul3A_623 : f32 to vector<1x2048xf32>
    %mul3A_625 = arith.mulf %mul3A_624, %mul3A_608 : vector<1x2048xf32>
    %add3A_626 = arith.addf %mul3A_622, %mul3A_625 : vector<1x2048xf32>
    %mul3A_627 = arith.constant 3.33333325 : f32
    %mul3A_628 = vector.broadcast %mul3A_627 : f32 to vector<1x2048xf32>
    %mul3A_629 = arith.mulf %mul3A_628, %abs3A_607 : vector<1x2048xf32>
    %sub3A_630 = arith.subf %add3A_626, %mul3A_629 : vector<1x2048xf32>
    %add3A_631 = arith.constant 1.77777779 : f32
    %add3A_632 = vector.broadcast %add3A_631 : f32 to vector<1x2048xf32>
    %add3A_633 = arith.addf %sub3A_630, %add3A_632 : vector<1x2048xf32>
    %lt3A_634 = arith.constant 1.000000e+00 : f32
    %lt3A_635 = vector.broadcast %lt3A_634 : f32 to vector<1x2048xf32>
    %lt3A_636 = arith.cmpf olt, %abs3A_607, %lt3A_635 : vector<1x2048xf32>
    %convert_element_type3A_637 = arith.extui %lt3A_636 : vector<1x2048xi1> to vector<1x2048xi32>
    %convert_element_type3A_638 = arith.sitofp %convert_element_type3A_637 : vector<1x2048xi32> to vector<1x2048xf32>
    %ge3A_639 = arith.constant 1.000000e+00 : f32
    %ge3A_640 = vector.broadcast %ge3A_639 : f32 to vector<1x2048xf32>
    %ge3A_641 = arith.cmpf oge, %abs3A_607, %ge3A_640 : vector<1x2048xf32>
    %lt3A_642 = arith.constant 2.000000e+00 : f32
    %lt3A_643 = vector.broadcast %lt3A_642 : f32 to vector<1x2048xf32>
    %lt3A_644 = arith.cmpf olt, %abs3A_607, %lt3A_643 : vector<1x2048xf32>
    %and3A_645 = arith.andi %ge3A_641, %lt3A_644 : vector<1x2048xi1>
    %convert_element_type3A_646 = arith.extui %and3A_645 : vector<1x2048xi1> to vector<1x2048xi32>
    %convert_element_type3A_647 = arith.sitofp %convert_element_type3A_646 : vector<1x2048xi32> to vector<1x2048xf32>
    %mul3A_648 = arith.mulf %add3A_619, %convert_element_type3A_638 : vector<1x2048xf32>
    %mul3A_649 = arith.mulf %add3A_633, %convert_element_type3A_647 : vector<1x2048xf32>
    %add3A_650 = arith.addf %mul3A_648, %mul3A_649 : vector<1x2048xf32>
    %sub3A_651 = arith.constant 3.000000e+00 : f32
    %sub3A_652 = vector.broadcast %sub3A_651 : f32 to vector<1x2048xf32>
    %sub3A_653 = arith.subf %slice3A_8, %sub3A_652 : vector<1x2048xf32>
    %abs3A_654 = math.absf %sub3A_653 : vector<1x2048xf32>
    %mul3A_655 = arith.mulf %abs3A_654, %abs3A_654 : vector<1x2048xf32>
    %mul3A_656 = arith.mulf %mul3A_655, %abs3A_654 : vector<1x2048xf32>
    %mul3A_657 = arith.constant 1.16666663 : f32
    %mul3A_658 = vector.broadcast %mul3A_657 : f32 to vector<1x2048xf32>
    %mul3A_659 = arith.mulf %mul3A_658, %mul3A_656 : vector<1x2048xf32>
    %mul3A_660 = arith.constant 2.000000e+00 : f32
    %mul3A_661 = vector.broadcast %mul3A_660 : f32 to vector<1x2048xf32>
    %mul3A_662 = arith.mulf %mul3A_661, %mul3A_655 : vector<1x2048xf32>
    %sub3A_663 = arith.subf %mul3A_659, %mul3A_662 : vector<1x2048xf32>
    %add3A_664 = arith.constant 0.888888895 : f32
    %add3A_665 = vector.broadcast %add3A_664 : f32 to vector<1x2048xf32>
    %add3A_666 = arith.addf %sub3A_663, %add3A_665 : vector<1x2048xf32>
    %mul3A_667 = arith.constant -0.388888896 : f32
    %mul3A_668 = vector.broadcast %mul3A_667 : f32 to vector<1x2048xf32>
    %mul3A_669 = arith.mulf %mul3A_668, %mul3A_656 : vector<1x2048xf32>
    %mul3A_670 = arith.constant 2.000000e+00 : f32
    %mul3A_671 = vector.broadcast %mul3A_670 : f32 to vector<1x2048xf32>
    %mul3A_672 = arith.mulf %mul3A_671, %mul3A_655 : vector<1x2048xf32>
    %add3A_673 = arith.addf %mul3A_669, %mul3A_672 : vector<1x2048xf32>
    %mul3A_674 = arith.constant 3.33333325 : f32
    %mul3A_675 = vector.broadcast %mul3A_674 : f32 to vector<1x2048xf32>
    %mul3A_676 = arith.mulf %mul3A_675, %abs3A_654 : vector<1x2048xf32>
    %sub3A_677 = arith.subf %add3A_673, %mul3A_676 : vector<1x2048xf32>
    %add3A_678 = arith.constant 1.77777779 : f32
    %add3A_679 = vector.broadcast %add3A_678 : f32 to vector<1x2048xf32>
    %add3A_680 = arith.addf %sub3A_677, %add3A_679 : vector<1x2048xf32>
    %lt3A_681 = arith.constant 1.000000e+00 : f32
    %lt3A_682 = vector.broadcast %lt3A_681 : f32 to vector<1x2048xf32>
    %lt3A_683 = arith.cmpf olt, %abs3A_654, %lt3A_682 : vector<1x2048xf32>
    %convert_element_type3A_684 = arith.extui %lt3A_683 : vector<1x2048xi1> to vector<1x2048xi32>
    %convert_element_type3A_685 = arith.sitofp %convert_element_type3A_684 : vector<1x2048xi32> to vector<1x2048xf32>
    %ge3A_686 = arith.constant 1.000000e+00 : f32
    %ge3A_687 = vector.broadcast %ge3A_686 : f32 to vector<1x2048xf32>
    %ge3A_688 = arith.cmpf oge, %abs3A_654, %ge3A_687 : vector<1x2048xf32>
    %lt3A_689 = arith.constant 2.000000e+00 : f32
    %lt3A_690 = vector.broadcast %lt3A_689 : f32 to vector<1x2048xf32>
    %lt3A_691 = arith.cmpf olt, %abs3A_654, %lt3A_690 : vector<1x2048xf32>
    %and3A_692 = arith.andi %ge3A_688, %lt3A_691 : vector<1x2048xi1>
    %convert_element_type3A_693 = arith.extui %and3A_692 : vector<1x2048xi1> to vector<1x2048xi32>
    %convert_element_type3A_694 = arith.sitofp %convert_element_type3A_693 : vector<1x2048xi32> to vector<1x2048xf32>
    %mul3A_695 = arith.mulf %add3A_666, %convert_element_type3A_685 : vector<1x2048xf32>
    %mul3A_696 = arith.mulf %add3A_680, %convert_element_type3A_694 : vector<1x2048xf32>
    %add3A_697 = arith.addf %mul3A_695, %mul3A_696 : vector<1x2048xf32>
    %broadcast_in_dim3A_698 = arith.constant 0.000000e+00 : f32
    %broadcast_in_dim3A_699 = vector.broadcast %broadcast_in_dim3A_698 : f32 to vector<1x2048xf32>
    %concatenate3A = tpu.concatenate %add3A_133, %add3A_180, %add3A_227, %add3A_274, %add3A_321, %add3A_368, %add3A_415, %add3A_462, %add3A_509, %add3A_556, %add3A_603, %add3A_650, %add3A_697, %div3A_74, %div3A_75, %div3A_79, %div3A_80, %slice3A_7, %slice3A_8, %div3A_84, %convert_element_type3A_89, %broadcast_in_dim3A_699, %broadcast_in_dim3A_699, %broadcast_in_dim3A_699 in 0 : vector<1x2048xf32>, vector<1x2048xf32>, vector<1x2048xf32>, vector<1x2048xf32>, vector<1x2048xf32>, vector<1x2048xf32>, vector<1x2048xf32>, vector<1x2048xf32>, vector<1x2048xf32>, vector<1x2048xf32>, vector<1x2048xf32>, vector<1x2048xf32>, vector<1x2048xf32>, vector<1x2048xf32>, vector<1x2048xf32>, vector<1x2048xf32>, vector<1x2048xf32>, vector<1x2048xf32>, vector<1x2048xf32>, vector<1x2048xf32>, vector<1x2048xf32>, vector<1x2048xf32>, vector<1x2048xf32>, vector<1x2048xf32> -> vector<24x2048xf32>
    %swap3A = arith.constant 0 : index
    %swap3A_700 = arith.constant 0 : index
    %swap3A_701 = arith.constant 0 : index
    %swap3A_702 = vector.load %arg3[%swap3A, %swap3A_700, %swap3A_701] : memref<1x24x2048xf32, #tpu.memory_space<vmem>>, vector<1x24x2048xf32>
    %swap3A_703 = vector.shape_cast %swap3A_702 : vector<1x24x2048xf32> to vector<24x2048xf32>
    %swap3A_704 = vector.shape_cast %concatenate3A : vector<24x2048xf32> to vector<1x24x2048xf32>
    tpu.vector_store %arg3[%swap3A, %swap3A_700, %swap3A_701], %swap3A_704 {strides = array<i32>} : memref<1x24x2048xf32, #tpu.memory_space<vmem>>, vector<1x24x2048xf32>,
    return
  }
  func.func @transform_0(%arg0: i32, %arg1: i32) -> (i32, i32, i32) {
    %c0_i32 = arith.constant 0 : i32
    %c0_i32_0 = arith.constant 0 : i32
    return %arg0, %c0_i32, %arg1 : i32, i32, i32
  }
  func.func @transform_1(%arg0: i32, %arg1: i32) -> (i32, i32, i32) {
    %c0_i32 = arith.constant 0 : i32
    %c0_i32_0 = arith.constant 0 : i32
    return %arg0, %c0_i32, %arg1 : i32, i32, i32
  }
}

module attributes {stable_mosaic.version = 14 : i64} {
  func.func @_taps_body(%arg0: i32, %arg1: i32, %arg2: memref<1x1024x128xi32, #tpu.memory_space<vmem>>, %arg3: memref<1x24x1024xf32, #tpu.memory_space<vmem>>, %arg4: memref<1x1024x8xf32, #tpu.memory_space<vmem>>) attributes {dimension_semantics = [#tpu.dimension_semantics<arbitrary>, #tpu.dimension_semantics<arbitrary>], iteration_bounds = array<i64: 2, 144>, scalar_prefetch = 0 : i64, scratch_operands = 0 : i64, tpu.core_type = #tpu.core_type<tc>, window_params = [{transform_indices = @transform_0, window_bounds = array<i64: 1, 1024, 128>}, {transform_indices = @transform_1, window_bounds = array<i64: 1, 24, 1024>}, {transform_indices = @transform_2, window_bounds = array<i64: 1, 1024, 8>}]} {
    %iota3A = tpu.iota {dimensions = array<i32: 1>} : vector<1x128xi32>
    %jit3A = arith.constant 21 : i32
    %eq3A = arith.constant 0 : i32
    %eq3A_0 = arith.cmpi eq, %jit3A, %eq3A : i32
    %jit3A_1 = arith.constant 1 : i32
    %select_n3A = arith.select %eq3A_0, %jit3A_1, %jit3A : i32
    %rem3A = vector.broadcast %select_n3A : i32 to vector<1x128xi32>
    %rem3A_2 = arith.remsi %iota3A, %rem3A : vector<1x128xi32>
    %ne3A = arith.constant 0 : i32
    %ne3A_3 = vector.broadcast %ne3A : i32 to vector<1x128xi32>
    %ne3A_4 = arith.cmpi ne, %rem3A_2, %ne3A_3 : vector<1x128xi32>
    %lt3A = arith.constant 0 : i32
    %lt3A_5 = vector.broadcast %lt3A : i32 to vector<1x128xi32>
    %lt3A_6 = arith.cmpi slt, %rem3A_2, %lt3A_5 : vector<1x128xi32>
    %lt3A_7 = arith.constant 0 : i32
    %lt3A_8 = arith.cmpi slt, %select_n3A, %lt3A_7 : i32
    %ne3A_9 = vector.broadcast %lt3A_8 : i1 to vector<1x128xi1>
    %ne3A_10 = vector.broadcast %ne3A_9 : vector<1x128xi1> to vector<1x128xi1>
    %ne3A_11 = arith.xori %lt3A_6, %ne3A_10 : vector<1x128xi1>
    %and3A = arith.andi %ne3A_11, %ne3A_4 : vector<1x128xi1>
    %add3A = vector.broadcast %select_n3A : i32 to vector<1x128xi32>
    %add3A_12 = arith.addi %rem3A_2, %add3A : vector<1x128xi32>
    %select_n3A_13 = arith.select %and3A, %add3A_12, %rem3A_2 : vector<1x128xi1>, vector<1x128xi32>
    %jit3A_14 = arith.constant 3 : i32
    %div3A = vector.broadcast %jit3A_14 : i32 to vector<1x128xi32>
    %div3A_15 = arith.divsi %select_n3A_13, %div3A : vector<1x128xi32>
    %sign3A = arith.constant 0 : i32
    %sign3A_16 = vector.broadcast %sign3A : i32 to vector<1x128xi32>
    %sign3A_17 = arith.cmpi sgt, %select_n3A_13, %sign3A_16 : vector<1x128xi32>
    %sign3A_18 = arith.extui %sign3A_17 : vector<1x128xi1> to vector<1x128xi32>
    %sign3A_19 = arith.constant 0 : i32
    %sign3A_20 = vector.broadcast %sign3A_19 : i32 to vector<1x128xi32>
    %sign3A_21 = arith.cmpi slt, %select_n3A_13, %sign3A_20 : vector<1x128xi32>
    %sign3A_22 = arith.extui %sign3A_21 : vector<1x128xi1> to vector<1x128xi32>
    %sign3A_23 = arith.subi %sign3A_18, %sign3A_22 : vector<1x128xi32>
    %sign3A_24 = arith.constant 0 : i32
    %sign3A_25 = arith.cmpi sgt, %jit3A_14, %sign3A_24 : i32
    %sign3A_26 = arith.extui %sign3A_25 : i1 to i32
    %sign3A_27 = arith.constant 0 : i32
    %sign3A_28 = arith.cmpi slt, %jit3A_14, %sign3A_27 : i32
    %sign3A_29 = arith.extui %sign3A_28 : i1 to i32
    %sign3A_30 = arith.subi %sign3A_26, %sign3A_29 : i32
    %ne3A_31 = vector.broadcast %sign3A_30 : i32 to vector<1x128xi32>
    %ne3A_32 = arith.cmpi ne, %sign3A_23, %ne3A_31 : vector<1x128xi32>
    %rem3A_33 = vector.broadcast %jit3A_14 : i32 to vector<1x128xi32>
    %rem3A_34 = arith.remsi %select_n3A_13, %rem3A_33 : vector<1x128xi32>
    %ne3A_35 = arith.constant 0 : i32
    %ne3A_36 = vector.broadcast %ne3A_35 : i32 to vector<1x128xi32>
    %ne3A_37 = arith.cmpi ne, %rem3A_34, %ne3A_36 : vector<1x128xi32>
    %and3A_38 = arith.andi %ne3A_32, %ne3A_37 : vector<1x128xi1>
    %sub3A = arith.constant 1 : i32
    %sub3A_39 = vector.broadcast %sub3A : i32 to vector<1x128xi32>
    %sub3A_40 = arith.subi %div3A_15, %sub3A_39 : vector<1x128xi32>
    %select_n3A_41 = arith.select %and3A_38, %sub3A_40, %div3A_15 : vector<1x128xi1>, vector<1x128xi32>
    %sub3A_42 = arith.constant 2 : i32
    %sub3A_43 = vector.broadcast %sub3A_42 : i32 to vector<1x128xi32>
    %sub3A_44 = arith.subi %select_n3A_41, %sub3A_43 : vector<1x128xi32>
    %convert_element_type3A = arith.sitofp %sub3A_44 : vector<1x128xi32> to vector<1x128xf32>
    %jit3A_45 = arith.constant 21 : i32
    %div3A_46 = vector.broadcast %jit3A_45 : i32 to vector<1x128xi32>
    %div3A_47 = arith.divsi %iota3A, %div3A_46 : vector<1x128xi32>
    %sign3A_48 = arith.constant 0 : i32
    %sign3A_49 = vector.broadcast %sign3A_48 : i32 to vector<1x128xi32>
    %sign3A_50 = arith.cmpi sgt, %iota3A, %sign3A_49 : vector<1x128xi32>
    %sign3A_51 = arith.extui %sign3A_50 : vector<1x128xi1> to vector<1x128xi32>
    %sign3A_52 = arith.constant 0 : i32
    %sign3A_53 = vector.broadcast %sign3A_52 : i32 to vector<1x128xi32>
    %sign3A_54 = arith.cmpi slt, %iota3A, %sign3A_53 : vector<1x128xi32>
    %sign3A_55 = arith.extui %sign3A_54 : vector<1x128xi1> to vector<1x128xi32>
    %sign3A_56 = arith.subi %sign3A_51, %sign3A_55 : vector<1x128xi32>
    %sign3A_57 = arith.constant 0 : i32
    %sign3A_58 = arith.cmpi sgt, %jit3A_45, %sign3A_57 : i32
    %sign3A_59 = arith.extui %sign3A_58 : i1 to i32
    %sign3A_60 = arith.constant 0 : i32
    %sign3A_61 = arith.cmpi slt, %jit3A_45, %sign3A_60 : i32
    %sign3A_62 = arith.extui %sign3A_61 : i1 to i32
    %sign3A_63 = arith.subi %sign3A_59, %sign3A_62 : i32
    %ne3A_64 = vector.broadcast %sign3A_63 : i32 to vector<1x128xi32>
    %ne3A_65 = arith.cmpi ne, %sign3A_56, %ne3A_64 : vector<1x128xi32>
    %rem3A_66 = vector.broadcast %jit3A_45 : i32 to vector<1x128xi32>
    %rem3A_67 = arith.remsi %iota3A, %rem3A_66 : vector<1x128xi32>
    %ne3A_68 = arith.constant 0 : i32
    %ne3A_69 = vector.broadcast %ne3A_68 : i32 to vector<1x128xi32>
    %ne3A_70 = arith.cmpi ne, %rem3A_67, %ne3A_69 : vector<1x128xi32>
    %and3A_71 = arith.andi %ne3A_65, %ne3A_70 : vector<1x128xi1>
    %sub3A_72 = arith.constant 1 : i32
    %sub3A_73 = vector.broadcast %sub3A_72 : i32 to vector<1x128xi32>
    %sub3A_74 = arith.subi %div3A_47, %sub3A_73 : vector<1x128xi32>
    %select_n3A_75 = arith.select %and3A_71, %sub3A_74, %div3A_47 : vector<1x128xi1>, vector<1x128xi32>
    %sub3A_76 = arith.constant 2 : i32
    %sub3A_77 = vector.broadcast %sub3A_76 : i32 to vector<1x128xi32>
    %sub3A_78 = arith.subi %select_n3A_75, %sub3A_77 : vector<1x128xi32>
    %convert_element_type3A_79 = arith.sitofp %sub3A_78 : vector<1x128xi32> to vector<1x128xf32>
    %get3A = arith.constant 0 : index
    %get3A_80 = arith.constant 0 : index
    %get3A_81 = arith.constant 0 : index
    %get3A_82 = vector.load %arg2[%get3A, %get3A_80, %get3A_81] : memref<1x1024x128xi32, #tpu.memory_space<vmem>>, vector<1x1024x128xi32>
    %get3A_83 = vector.shape_cast %get3A_82 : vector<1x1024x128xi32> to vector<1024x128xi32>
    %and3A_84 = arith.constant -65536 : i32
    %and3A_85 = vector.broadcast %and3A_84 : i32 to vector<1024x128xi32>
    %and3A_86 = arith.andi %get3A_83, %and3A_85 : vector<1024x128xi32>
    %bitcast_convert_type3A = tpu.bitcast %and3A_86 : vector<1024x128xi32> -> vector<1024x128xf32>
    %shift_left3A = arith.constant 16 : i32
    %shift_left3A_87 = vector.broadcast %shift_left3A : i32 to vector<1024x128xi32>
    %shift_left3A_88 = arith.shli %get3A_83, %shift_left3A_87 : vector<1024x128xi32>
    %bitcast_convert_type3A_89 = tpu.bitcast %shift_left3A_88 : vector<1024x128xi32> -> vector<1024x128xf32>
    %get3A_90 = arith.constant 0 : index
    %get3A_91 = arith.constant 0 : index
    %get3A_92 = arith.constant 0 : index
    %get3A_93 = vector.load %arg3[%get3A_90, %get3A_91, %get3A_92] : memref<1x24x1024xf32, #tpu.memory_space<vmem>>, vector<1x24x1024xf32>
    %get3A_94 = vector.shape_cast %get3A_93 : vector<1x24x1024xf32> to vector<24x1024xf32>
    %transpose3A = tpu.transpose %get3A_94, [1, 0] : vector<24x1024xf32> -> vector<1024x24xf32>
    %jit3A_95 = arith.constant 21 : i32
    %div3A_96 = vector.broadcast %jit3A_95 : i32 to vector<1x128xi32>
    %div3A_97 = arith.divsi %iota3A, %div3A_96 : vector<1x128xi32>
    %sign3A_98 = arith.constant 0 : i32
    %sign3A_99 = vector.broadcast %sign3A_98 : i32 to vector<1x128xi32>
    %sign3A_100 = arith.cmpi sgt, %iota3A, %sign3A_99 : vector<1x128xi32>
    %sign3A_101 = arith.extui %sign3A_100 : vector<1x128xi1> to vector<1x128xi32>
    %sign3A_102 = arith.constant 0 : i32
    %sign3A_103 = vector.broadcast %sign3A_102 : i32 to vector<1x128xi32>
    %sign3A_104 = arith.cmpi slt, %iota3A, %sign3A_103 : vector<1x128xi32>
    %sign3A_105 = arith.extui %sign3A_104 : vector<1x128xi1> to vector<1x128xi32>
    %sign3A_106 = arith.subi %sign3A_101, %sign3A_105 : vector<1x128xi32>
    %sign3A_107 = arith.constant 0 : i32
    %sign3A_108 = arith.cmpi sgt, %jit3A_95, %sign3A_107 : i32
    %sign3A_109 = arith.extui %sign3A_108 : i1 to i32
    %sign3A_110 = arith.constant 0 : i32
    %sign3A_111 = arith.cmpi slt, %jit3A_95, %sign3A_110 : i32
    %sign3A_112 = arith.extui %sign3A_111 : i1 to i32
    %sign3A_113 = arith.subi %sign3A_109, %sign3A_112 : i32
    %ne3A_114 = vector.broadcast %sign3A_113 : i32 to vector<1x128xi32>
    %ne3A_115 = arith.cmpi ne, %sign3A_106, %ne3A_114 : vector<1x128xi32>
    %rem3A_116 = vector.broadcast %jit3A_95 : i32 to vector<1x128xi32>
    %rem3A_117 = arith.remsi %iota3A, %rem3A_116 : vector<1x128xi32>
    %ne3A_118 = arith.constant 0 : i32
    %ne3A_119 = vector.broadcast %ne3A_118 : i32 to vector<1x128xi32>
    %ne3A_120 = arith.cmpi ne, %rem3A_117, %ne3A_119 : vector<1x128xi32>
    %and3A_121 = arith.andi %ne3A_115, %ne3A_120 : vector<1x128xi1>
    %sub3A_122 = arith.constant 1 : i32
    %sub3A_123 = vector.broadcast %sub3A_122 : i32 to vector<1x128xi32>
    %sub3A_124 = arith.subi %div3A_97, %sub3A_123 : vector<1x128xi32>
    %select_n3A_125 = arith.select %and3A_121, %sub3A_124, %div3A_97 : vector<1x128xi1>, vector<1x128xi32>
    %min3A = arith.constant 5 : i32
    %min3A_126 = vector.broadcast %min3A : i32 to vector<1x128xi32>
    %min3A_127 = arith.minsi %select_n3A_125, %min3A_126 : vector<1x128xi32>
    %add3A_128 = arith.constant 7 : i32
    %add3A_129 = vector.broadcast %add3A_128 : i32 to vector<1x128xi32>
    %add3A_130 = arith.addi %min3A_127, %add3A_129 : vector<1x128xi32>
    %broadcast_in_dim3A = vector.shape_cast %select_n3A_41 : vector<1x128xi32> to vector<1x128xi32>
    %broadcast_in_dim3A_131 = vector.broadcast %broadcast_in_dim3A : vector<1x128xi32> to vector<1024x128xi32>
    %lt3A_132 = arith.constant 0 : i32
    %lt3A_133 = vector.broadcast %lt3A_132 : i32 to vector<1024x128xi32>
    %lt3A_134 = arith.cmpi slt, %broadcast_in_dim3A_131, %lt3A_133 : vector<1024x128xi32>
    %add3A_135 = arith.constant 24 : i32
    %add3A_136 = vector.broadcast %add3A_135 : i32 to vector<1024x128xi32>
    %add3A_137 = arith.addi %broadcast_in_dim3A_131, %add3A_136 : vector<1024x128xi32>
    %select_n3A_138 = arith.select %lt3A_134, %add3A_137, %broadcast_in_dim3A_131 : vector<1024x128xi1>, vector<1024x128xi32>
    %reshape3A = vector.shape_cast %select_n3A_138 : vector<1024x128xi32> to vector<1024x128x1xi32>
    %gather3A = vector.shape_cast %reshape3A : vector<1024x128x1xi32> to vector<1024x128xi32>
    %gather3A_139 = tpu.dynamic_gather %transpose3A[%gather3A] in [1] : vector<1024x24xf32>, vector<1024x128xi32> -> vector<1024x128xf32>
    %broadcast_in_dim3A_140 = vector.shape_cast %add3A_130 : vector<1x128xi32> to vector<1x128xi32>
    %broadcast_in_dim3A_141 = vector.broadcast %broadcast_in_dim3A_140 : vector<1x128xi32> to vector<1024x128xi32>
    %lt3A_142 = arith.constant 0 : i32
    %lt3A_143 = vector.broadcast %lt3A_142 : i32 to vector<1024x128xi32>
    %lt3A_144 = arith.cmpi slt, %broadcast_in_dim3A_141, %lt3A_143 : vector<1024x128xi32>
    %add3A_145 = arith.constant 24 : i32
    %add3A_146 = vector.broadcast %add3A_145 : i32 to vector<1024x128xi32>
    %add3A_147 = arith.addi %broadcast_in_dim3A_141, %add3A_146 : vector<1024x128xi32>
    %select_n3A_148 = arith.select %lt3A_144, %add3A_147, %broadcast_in_dim3A_141 : vector<1024x128xi1>, vector<1024x128xi32>
    %reshape3A_149 = vector.shape_cast %select_n3A_148 : vector<1024x128xi32> to vector<1024x128x1xi32>
    %gather3A_150 = vector.shape_cast %reshape3A_149 : vector<1024x128x1xi32> to vector<1024x128xi32>
    %gather3A_151 = tpu.dynamic_gather %transpose3A[%gather3A_150] in [1] : vector<1024x24xf32>, vector<1024x128xi32> -> vector<1024x128xf32>
    %mul3A = arith.mulf %gather3A_139, %gather3A_151 : vector<1024x128xf32>
    %slice3A = vector.extract_strided_slice %transpose3A {offsets = [0, 13], sizes = [1024, 1], strides = [1, 1]} : vector<1024x24xf32> to vector<1024x1xf32>
    %slice3A_152 = vector.extract_strided_slice %transpose3A {offsets = [0, 14], sizes = [1024, 1], strides = [1, 1]} : vector<1024x24xf32> to vector<1024x1xf32>
    %slice3A_153 = vector.extract_strided_slice %transpose3A {offsets = [0, 15], sizes = [1024, 1], strides = [1, 1]} : vector<1024x24xf32> to vector<1024x1xf32>
    %slice3A_154 = vector.extract_strided_slice %transpose3A {offsets = [0, 16], sizes = [1024, 1], strides = [1, 1]} : vector<1024x24xf32> to vector<1024x1xf32>
    %slice3A_155 = vector.extract_strided_slice %transpose3A {offsets = [0, 17], sizes = [1024, 1], strides = [1, 1]} : vector<1024x24xf32> to vector<1024x1xf32>
    %slice3A_156 = vector.extract_strided_slice %transpose3A {offsets = [0, 18], sizes = [1024, 1], strides = [1, 1]} : vector<1024x24xf32> to vector<1024x1xf32>
    %sub3A_157 = vector.broadcast %slice3A_155 : vector<1024x1xf32> to vector<1024x128xf32>
    %sub3A_158 = vector.broadcast %convert_element_type3A : vector<1x128xf32> to vector<1024x128xf32>
    %sub3A_159 = arith.subf %sub3A_157, %sub3A_158 : vector<1024x128xf32>
    %sub3A_160 = vector.broadcast %slice3A_156 : vector<1024x1xf32> to vector<1024x128xf32>
    %sub3A_161 = vector.broadcast %convert_element_type3A_79 : vector<1x128xf32> to vector<1024x128xf32>
    %sub3A_162 = arith.subf %sub3A_160, %sub3A_161 : vector<1024x128xf32>
    %mul3A_163 = vector.broadcast %slice3A : vector<1024x1xf32> to vector<1024x128xf32>
    %mul3A_164 = arith.mulf %sub3A_159, %mul3A_163 : vector<1024x128xf32>
    %mul3A_165 = vector.broadcast %slice3A_152 : vector<1024x1xf32> to vector<1024x128xf32>
    %mul3A_166 = arith.mulf %sub3A_162, %mul3A_165 : vector<1024x128xf32>
    %add3A_167 = arith.addf %mul3A_164, %mul3A_166 : vector<1024x128xf32>
    %mul3A_168 = vector.broadcast %slice3A_153 : vector<1024x1xf32> to vector<1024x128xf32>
    %mul3A_169 = arith.mulf %sub3A_159, %mul3A_168 : vector<1024x128xf32>
    %mul3A_170 = vector.broadcast %slice3A_154 : vector<1024x1xf32> to vector<1024x128xf32>
    %mul3A_171 = arith.mulf %sub3A_162, %mul3A_170 : vector<1024x128xf32>
    %add3A_172 = arith.addf %mul3A_169, %mul3A_171 : vector<1024x128xf32>
    %mul3A_173 = arith.mulf %add3A_167, %add3A_167 : vector<1024x128xf32>
    %mul3A_174 = arith.mulf %add3A_172, %add3A_172 : vector<1024x128xf32>
    %add3A_175 = arith.addf %mul3A_173, %mul3A_174 : vector<1024x128xf32>
    %add3A_176 = arith.constant 9.99999993E-9 : f32
    %add3A_177 = vector.broadcast %add3A_176 : f32 to vector<1024x128xf32>
    %add3A_178 = arith.addf %add3A_175, %add3A_177 : vector<1024x128xf32>
    %sqrt3A = math.sqrt %add3A_178 : vector<1024x128xf32>
    %mul3A_179 = arith.constant -3.000000e+00 : f32
    %mul3A_180 = vector.broadcast %mul3A_179 : f32 to vector<1024x128xf32>
    %mul3A_181 = arith.mulf %mul3A_180, %sqrt3A : vector<1024x128xf32>
    %add3A_182 = arith.constant 5.41432571 : f32
    %add3A_183 = vector.broadcast %add3A_182 : f32 to vector<1024x128xf32>
    %add3A_184 = arith.addf %mul3A_181, %add3A_183 : vector<1024x128xf32>
    %mul3A_185 = arith.mulf %add3A_175, %add3A_184 : vector<1024x128xf32>
    %add3A_186 = arith.constant -2.82865119 : f32
    %add3A_187 = vector.broadcast %add3A_186 : f32 to vector<1024x128xf32>
    %add3A_188 = arith.addf %mul3A_185, %add3A_187 : vector<1024x128xf32>
    %add3A_189 = arith.constant -1.41432559 : f32
    %add3A_190 = vector.broadcast %add3A_189 : f32 to vector<1024x128xf32>
    %add3A_191 = arith.addf %sqrt3A, %add3A_190 : vector<1024x128xf32>
    %sub3A_192 = arith.constant 2.000000e+00 : f32
    %sub3A_193 = vector.broadcast %sub3A_192 : f32 to vector<1024x128xf32>
    %sub3A_194 = arith.subf %sqrt3A, %sub3A_193 : vector<1024x128xf32>
    %mul3A_195 = arith.mulf %add3A_191, %sub3A_194 : vector<1024x128xf32>
    %sub3A_196 = arith.constant 2.000000e+00 : f32
    %sub3A_197 = vector.broadcast %sub3A_196 : f32 to vector<1024x128xf32>
    %sub3A_198 = arith.subf %sqrt3A, %sub3A_197 : vector<1024x128xf32>
    %mul3A_199 = arith.mulf %mul3A_195, %sub3A_198 : vector<1024x128xf32>
    %lt3A_200 = arith.constant 1.000000e+00 : f32
    %lt3A_201 = vector.broadcast %lt3A_200 : f32 to vector<1024x128xf32>
    %lt3A_202 = arith.cmpf olt, %add3A_175, %lt3A_201 : vector<1024x128xf32>
    %convert_element_type3A_203 = arith.extui %lt3A_202 : vector<1024x128xi1> to vector<1024x128xi32>
    %convert_element_type3A_204 = arith.sitofp %convert_element_type3A_203 : vector<1024x128xi32> to vector<1024x128xf32>
    %mul3A_205 = arith.mulf %add3A_188, %convert_element_type3A_204 : vector<1024x128xf32>
    %ge3A = arith.constant 1.000000e+00 : f32
    %ge3A_206 = vector.broadcast %ge3A : f32 to vector<1024x128xf32>
    %ge3A_207 = arith.cmpf oge, %add3A_175, %ge3A_206 : vector<1024x128xf32>
    %lt3A_208 = arith.constant 4.000000e+00 : f32
    %lt3A_209 = vector.broadcast %lt3A_208 : f32 to vector<1024x128xf32>
    %lt3A_210 = arith.cmpf olt, %add3A_175, %lt3A_209 : vector<1024x128xf32>
    %and3A_211 = arith.andi %ge3A_207, %lt3A_210 : vector<1024x128xi1>
    %convert_element_type3A_212 = arith.extui %and3A_211 : vector<1024x128xi1> to vector<1024x128xi32>
    %convert_element_type3A_213 = arith.sitofp %convert_element_type3A_212 : vector<1024x128xi32> to vector<1024x128xf32>
    %mul3A_214 = arith.mulf %mul3A_199, %convert_element_type3A_213 : vector<1024x128xf32>
    %add3A_215 = arith.addf %mul3A_205, %mul3A_214 : vector<1024x128xf32>
    %mul3A_216 = arith.mulf %bitcast_convert_type3A_89, %mul3A : vector<1024x128xf32>
    %mul3A_217 = arith.mulf %bitcast_convert_type3A, %add3A_215 : vector<1024x128xf32>
    %iota3A_218 = tpu.iota {dimensions = array<i32: 0>} : vector<128x8xi32>
    %iota3A_219 = tpu.iota {dimensions = array<i32: 1>} : vector<128x8xi32>
    %jit3A_220 = arith.constant 3 : i32
    %eq3A_221 = arith.constant 0 : i32
    %eq3A_222 = arith.cmpi eq, %jit3A_220, %eq3A_221 : i32
    %jit3A_223 = arith.constant 1 : i32
    %select_n3A_224 = arith.select %eq3A_222, %jit3A_223, %jit3A_220 : i32
    %rem3A_225 = vector.broadcast %select_n3A_224 : i32 to vector<128x8xi32>
    %rem3A_226 = arith.remsi %iota3A_218, %rem3A_225 : vector<128x8xi32>
    %ne3A_227 = arith.constant 0 : i32
    %ne3A_228 = vector.broadcast %ne3A_227 : i32 to vector<128x8xi32>
    %ne3A_229 = arith.cmpi ne, %rem3A_226, %ne3A_228 : vector<128x8xi32>
    %lt3A_230 = arith.constant 0 : i32
    %lt3A_231 = vector.broadcast %lt3A_230 : i32 to vector<128x8xi32>
    %lt3A_232 = arith.cmpi slt, %rem3A_226, %lt3A_231 : vector<128x8xi32>
    %lt3A_233 = arith.constant 0 : i32
    %lt3A_234 = arith.cmpi slt, %select_n3A_224, %lt3A_233 : i32
    %ne3A_235 = vector.broadcast %lt3A_234 : i1 to vector<128x8xi1>
    %ne3A_236 = vector.broadcast %ne3A_235 : vector<128x8xi1> to vector<128x8xi1>
    %ne3A_237 = arith.xori %lt3A_232, %ne3A_236 : vector<128x8xi1>
    %and3A_238 = arith.andi %ne3A_237, %ne3A_229 : vector<128x8xi1>
    %add3A_239 = vector.broadcast %select_n3A_224 : i32 to vector<128x8xi32>
    %add3A_240 = arith.addi %rem3A_226, %add3A_239 : vector<128x8xi32>
    %select_n3A_241 = arith.select %and3A_238, %add3A_240, %rem3A_226 : vector<128x8xi1>, vector<128x8xi32>
    %jit3A_242 = arith.constant 21 : i32
    %eq3A_243 = arith.constant 0 : i32
    %eq3A_244 = arith.cmpi eq, %jit3A_242, %eq3A_243 : i32
    %jit3A_245 = arith.constant 1 : i32
    %select_n3A_246 = arith.select %eq3A_244, %jit3A_245, %jit3A_242 : i32
    %rem3A_247 = vector.broadcast %select_n3A_246 : i32 to vector<128x8xi32>
    %rem3A_248 = arith.remsi %iota3A_218, %rem3A_247 : vector<128x8xi32>
    %ne3A_249 = arith.constant 0 : i32
    %ne3A_250 = vector.broadcast %ne3A_249 : i32 to vector<128x8xi32>
    %ne3A_251 = arith.cmpi ne, %rem3A_248, %ne3A_250 : vector<128x8xi32>
    %lt3A_252 = arith.constant 0 : i32
    %lt3A_253 = vector.broadcast %lt3A_252 : i32 to vector<128x8xi32>
    %lt3A_254 = arith.cmpi slt, %rem3A_248, %lt3A_253 : vector<128x8xi32>
    %lt3A_255 = arith.constant 0 : i32
    %lt3A_256 = arith.cmpi slt, %select_n3A_246, %lt3A_255 : i32
    %ne3A_257 = vector.broadcast %lt3A_256 : i1 to vector<128x8xi1>
    %ne3A_258 = vector.broadcast %ne3A_257 : vector<128x8xi1> to vector<128x8xi1>
    %ne3A_259 = arith.xori %lt3A_254, %ne3A_258 : vector<128x8xi1>
    %and3A_260 = arith.andi %ne3A_259, %ne3A_251 : vector<128x8xi1>
    %add3A_261 = vector.broadcast %select_n3A_246 : i32 to vector<128x8xi32>
    %add3A_262 = arith.addi %rem3A_248, %add3A_261 : vector<128x8xi32>
    %select_n3A_263 = arith.select %and3A_260, %add3A_262, %rem3A_248 : vector<128x8xi1>, vector<128x8xi32>
    %jit3A_264 = arith.constant 3 : i32
    %div3A_265 = vector.broadcast %jit3A_264 : i32 to vector<128x8xi32>
    %div3A_266 = arith.divsi %select_n3A_263, %div3A_265 : vector<128x8xi32>
    %sign3A_267 = arith.constant 0 : i32
    %sign3A_268 = vector.broadcast %sign3A_267 : i32 to vector<128x8xi32>
    %sign3A_269 = arith.cmpi sgt, %select_n3A_263, %sign3A_268 : vector<128x8xi32>
    %sign3A_270 = arith.extui %sign3A_269 : vector<128x8xi1> to vector<128x8xi32>
    %sign3A_271 = arith.constant 0 : i32
    %sign3A_272 = vector.broadcast %sign3A_271 : i32 to vector<128x8xi32>
    %sign3A_273 = arith.cmpi slt, %select_n3A_263, %sign3A_272 : vector<128x8xi32>
    %sign3A_274 = arith.extui %sign3A_273 : vector<128x8xi1> to vector<128x8xi32>
    %sign3A_275 = arith.subi %sign3A_270, %sign3A_274 : vector<128x8xi32>
    %sign3A_276 = arith.constant 0 : i32
    %sign3A_277 = arith.cmpi sgt, %jit3A_264, %sign3A_276 : i32
    %sign3A_278 = arith.extui %sign3A_277 : i1 to i32
    %sign3A_279 = arith.constant 0 : i32
    %sign3A_280 = arith.cmpi slt, %jit3A_264, %sign3A_279 : i32
    %sign3A_281 = arith.extui %sign3A_280 : i1 to i32
    %sign3A_282 = arith.subi %sign3A_278, %sign3A_281 : i32
    %ne3A_283 = vector.broadcast %sign3A_282 : i32 to vector<128x8xi32>
    %ne3A_284 = arith.cmpi ne, %sign3A_275, %ne3A_283 : vector<128x8xi32>
    %rem3A_285 = vector.broadcast %jit3A_264 : i32 to vector<128x8xi32>
    %rem3A_286 = arith.remsi %select_n3A_263, %rem3A_285 : vector<128x8xi32>
    %ne3A_287 = arith.constant 0 : i32
    %ne3A_288 = vector.broadcast %ne3A_287 : i32 to vector<128x8xi32>
    %ne3A_289 = arith.cmpi ne, %rem3A_286, %ne3A_288 : vector<128x8xi32>
    %and3A_290 = arith.andi %ne3A_284, %ne3A_289 : vector<128x8xi1>
    %sub3A_291 = arith.constant 1 : i32
    %sub3A_292 = vector.broadcast %sub3A_291 : i32 to vector<128x8xi32>
    %sub3A_293 = arith.subi %div3A_266, %sub3A_292 : vector<128x8xi32>
    %select_n3A_294 = arith.select %and3A_290, %sub3A_293, %div3A_266 : vector<128x8xi1>, vector<128x8xi32>
    %lt3A_295 = arith.constant 126 : i32
    %lt3A_296 = vector.broadcast %lt3A_295 : i32 to vector<128x8xi32>
    %lt3A_297 = arith.cmpi slt, %iota3A_218, %lt3A_296 : vector<128x8xi32>
    %lt3A_298 = arith.constant 6 : i32
    %lt3A_299 = vector.broadcast %lt3A_298 : i32 to vector<128x8xi32>
    %lt3A_300 = arith.cmpi slt, %select_n3A_294, %lt3A_299 : vector<128x8xi32>
    %and3A_301 = arith.andi %lt3A_297, %lt3A_300 : vector<128x8xi1>
    %lt3A_302 = arith.constant 3 : i32
    %lt3A_303 = vector.broadcast %lt3A_302 : i32 to vector<128x8xi32>
    %lt3A_304 = arith.cmpi slt, %iota3A_219, %lt3A_303 : vector<128x8xi32>
    %eq3A_305 = arith.cmpi eq, %select_n3A_241, %iota3A_219 : vector<128x8xi32>
    %and3A_306 = arith.andi %lt3A_304, %eq3A_305 : vector<128x8xi1>
    %and3A_307 = arith.andi %and3A_306, %and3A_301 : vector<128x8xi1>
    %convert_element_type3A_308 = arith.extui %and3A_307 : vector<128x8xi1> to vector<128x8xi32>
    %convert_element_type3A_309 = arith.sitofp %convert_element_type3A_308 : vector<128x8xi32> to vector<128x8xf32>
    %ge3A_310 = arith.constant 3 : i32
    %ge3A_311 = vector.broadcast %ge3A_310 : i32 to vector<128x8xi32>
    %ge3A_312 = arith.cmpi sge, %iota3A_219, %ge3A_311 : vector<128x8xi32>
    %lt3A_313 = arith.constant 6 : i32
    %lt3A_314 = vector.broadcast %lt3A_313 : i32 to vector<128x8xi32>
    %lt3A_315 = arith.cmpi slt, %iota3A_219, %lt3A_314 : vector<128x8xi32>
    %and3A_316 = arith.andi %ge3A_312, %lt3A_315 : vector<128x8xi1>
    %sub3A_317 = arith.constant 3 : i32
    %sub3A_318 = vector.broadcast %sub3A_317 : i32 to vector<128x8xi32>
    %sub3A_319 = arith.subi %iota3A_219, %sub3A_318 : vector<128x8xi32>
    %eq3A_320 = arith.cmpi eq, %select_n3A_241, %sub3A_319 : vector<128x8xi32>
    %and3A_321 = arith.andi %and3A_316, %eq3A_320 : vector<128x8xi1>
    %and3A_322 = arith.andi %and3A_321, %and3A_301 : vector<128x8xi1>
    %convert_element_type3A_323 = arith.extui %and3A_322 : vector<128x8xi1> to vector<128x8xi32>
    %convert_element_type3A_324 = arith.sitofp %convert_element_type3A_323 : vector<128x8xi32> to vector<128x8xf32>
    %eq3A_325 = arith.constant 6 : i32
    %eq3A_326 = vector.broadcast %eq3A_325 : i32 to vector<128x8xi32>
    %eq3A_327 = arith.cmpi eq, %iota3A_219, %eq3A_326 : vector<128x8xi32>
    %eq3A_328 = arith.constant 0 : i32
    %eq3A_329 = vector.broadcast %eq3A_328 : i32 to vector<128x8xi32>
    %eq3A_330 = arith.cmpi eq, %select_n3A_241, %eq3A_329 : vector<128x8xi32>
    %and3A_331 = arith.andi %eq3A_327, %eq3A_330 : vector<128x8xi1>
    %and3A_332 = arith.andi %and3A_331, %and3A_301 : vector<128x8xi1>
    %convert_element_type3A_333 = arith.extui %and3A_332 : vector<128x8xi1> to vector<128x8xi32>
    %convert_element_type3A_334 = arith.sitofp %convert_element_type3A_333 : vector<128x8xi32> to vector<128x8xf32>
    %dot_general3A = arith.constant dense<0.000000e+00> : vector<1024x8xf32>
    %dot_general3A_335 = tpu.matmul %mul3A_216, %convert_element_type3A_309, %dot_general3A {dimension_numbers = #tpu.dot_dimension_numbers<[1], [0], [0], [1], [0, 0, 1, 1], [], []>, transpose_lhs_hint = false} : vector<1024x128xf32>, vector<128x8xf32>, vector<1024x8xf32> -> vector<1024x8xf32>
    %dot_general3A_336 = arith.constant dense<0.000000e+00> : vector<1024x8xf32>
    %dot_general3A_337 = tpu.matmul %mul3A_217, %convert_element_type3A_324, %dot_general3A_336 {dimension_numbers = #tpu.dot_dimension_numbers<[1], [0], [0], [1], [0, 0, 1, 1], [], []>, transpose_lhs_hint = false} : vector<1024x128xf32>, vector<128x8xf32>, vector<1024x8xf32> -> vector<1024x8xf32>
    %add3A_338 = arith.addf %dot_general3A_335, %dot_general3A_337 : vector<1024x8xf32>
    %dot_general3A_339 = arith.constant dense<0.000000e+00> : vector<1024x8xf32>
    %dot_general3A_340 = tpu.matmul %add3A_215, %convert_element_type3A_334, %dot_general3A_339 {dimension_numbers = #tpu.dot_dimension_numbers<[1], [0], [0], [1], [0, 0, 1, 1], [], []>, transpose_lhs_hint = false} : vector<1024x128xf32>, vector<128x8xf32>, vector<1024x8xf32> -> vector<1024x8xf32>
    %add3A_341 = arith.addf %add3A_338, %dot_general3A_340 : vector<1024x8xf32>
    %swap3A = arith.constant 0 : index
    %swap3A_342 = arith.constant 0 : index
    %swap3A_343 = arith.constant 0 : index
    %swap3A_344 = vector.load %arg4[%swap3A, %swap3A_342, %swap3A_343] : memref<1x1024x8xf32, #tpu.memory_space<vmem>>, vector<1x1024x8xf32>
    %swap3A_345 = vector.shape_cast %swap3A_344 : vector<1x1024x8xf32> to vector<1024x8xf32>
    %swap3A_346 = vector.shape_cast %add3A_341 : vector<1024x8xf32> to vector<1x1024x8xf32>
    tpu.vector_store %arg4[%swap3A, %swap3A_342, %swap3A_343], %swap3A_346 {strides = array<i32>} : memref<1x1024x8xf32, #tpu.memory_space<vmem>>, vector<1x1024x8xf32>,
    return
  }
  func.func @transform_0(%arg0: i32, %arg1: i32) -> (i32, i32, i32) {
    %c0_i32 = arith.constant 0 : i32
    %c0_i32_0 = arith.constant 0 : i32
    return %arg0, %arg1, %c0_i32 : i32, i32, i32
  }
  func.func @transform_1(%arg0: i32, %arg1: i32) -> (i32, i32, i32) {
    %c0_i32 = arith.constant 0 : i32
    %c0_i32_0 = arith.constant 0 : i32
    return %arg0, %c0_i32, %arg1 : i32, i32, i32
  }
  func.func @transform_2(%arg0: i32, %arg1: i32) -> (i32, i32, i32) {
    %c0_i32 = arith.constant 0 : i32
    %c0_i32_0 = arith.constant 0 : i32
    return %arg0, %arg1, %c0_i32 : i32, i32, i32
  }
}

module attributes {stable_mosaic.version = 14 : i64} {
  func.func @_final_body(%arg0: i32, %arg1: i32, %arg2: memref<1x8x2048xf32, #tpu.memory_space<vmem>>, %arg3: memref<1x8x2048xf32, #tpu.memory_space<vmem>>, %arg4: memref<1x3x2048xf32, #tpu.memory_space<vmem>>) attributes {dimension_semantics = [#tpu.dimension_semantics<arbitrary>, #tpu.dimension_semantics<arbitrary>], iteration_bounds = array<i64: 2, 72>, scalar_prefetch = 0 : i64, scratch_operands = 0 : i64, tpu.core_type = #tpu.core_type<tc>, window_params = [{transform_indices = @transform_0, window_bounds = array<i64: 1, 8, 2048>}, {transform_indices = @transform_1, window_bounds = array<i64: 1, 8, 2048>}, {transform_indices = @transform_2, window_bounds = array<i64: 1, 3, 2048>}]} {
    %get3A = arith.constant 0 : index
    %get3A_0 = arith.constant 3 : index
    %get3A_1 = arith.constant 0 : index
    %get3A_2 = vector.load %arg2[%get3A, %get3A_0, %get3A_1] : memref<1x8x2048xf32, #tpu.memory_space<vmem>>, vector<1x1x2048xf32>
    %get3A_3 = vector.shape_cast %get3A_2 : vector<1x1x2048xf32> to vector<1x2048xf32>
    %get3A_4 = arith.constant 0 : index
    %get3A_5 = arith.constant 4 : index
    %get3A_6 = arith.constant 0 : index
    %get3A_7 = vector.load %arg2[%get3A_4, %get3A_5, %get3A_6] : memref<1x8x2048xf32, #tpu.memory_space<vmem>>, vector<1x1x2048xf32>
    %get3A_8 = vector.shape_cast %get3A_7 : vector<1x1x2048xf32> to vector<1x2048xf32>
    %get3A_9 = arith.constant 0 : index
    %get3A_10 = arith.constant 0 : index
    %get3A_11 = arith.constant 0 : index
    %get3A_12 = vector.load %arg3[%get3A_9, %get3A_10, %get3A_11] : memref<1x8x2048xf32, #tpu.memory_space<vmem>>, vector<1x3x2048xf32>
    %get3A_13 = vector.shape_cast %get3A_12 : vector<1x3x2048xf32> to vector<3x2048xf32>
    %get3A_14 = arith.constant 0 : index
    %get3A_15 = arith.constant 3 : index
    %get3A_16 = arith.constant 0 : index
    %get3A_17 = vector.load %arg3[%get3A_14, %get3A_15, %get3A_16] : memref<1x8x2048xf32, #tpu.memory_space<vmem>>, vector<1x3x2048xf32>
    %get3A_18 = vector.shape_cast %get3A_17 : vector<1x3x2048xf32> to vector<3x2048xf32>
    %get3A_19 = arith.constant 0 : index
    %get3A_20 = arith.constant 6 : index
    %get3A_21 = arith.constant 0 : index
    %get3A_22 = vector.load %arg3[%get3A_19, %get3A_20, %get3A_21] : memref<1x8x2048xf32, #tpu.memory_space<vmem>>, vector<1x1x2048xf32>
    %get3A_23 = vector.shape_cast %get3A_22 : vector<1x1x2048xf32> to vector<1x2048xf32>
    %add3A = arith.constant 9.99999993E-9 : f32
    %add3A_24 = vector.broadcast %add3A : f32 to vector<1x2048xf32>
    %add3A_25 = arith.addf %get3A_23, %add3A_24 : vector<1x2048xf32>
    %mul3A = arith.constant 0.644748747 : f32
    %mul3A_26 = vector.broadcast %mul3A : f32 to vector<3x2048xf32>
    %mul3A_27 = arith.mulf %mul3A_26, %get3A_13 : vector<3x2048xf32>
    %mul3A_28 = arith.constant 0.644748747 : f32
    %mul3A_29 = vector.broadcast %mul3A_28 : f32 to vector<3x2048xf32>
    %mul3A_30 = arith.mulf %mul3A_29, %get3A_13 : vector<3x2048xf32>
    %add3A_31 = arith.constant 0.355251282 : f32
    %add3A_32 = vector.broadcast %add3A_31 : f32 to vector<3x2048xf32>
    %add3A_33 = arith.addf %mul3A_30, %add3A_32 : vector<3x2048xf32>
    %mul3A_34 = arith.constant 1.692945 : f32
    %mul3A_35 = vector.broadcast %mul3A_34 : f32 to vector<3x2048xf32>
    %mul3A_36 = arith.mulf %mul3A_35, %get3A_13 : vector<3x2048xf32>
    %sub3A = arith.constant 0.846472502 : f32
    %sub3A_37 = vector.broadcast %sub3A : f32 to vector<3x2048xf32>
    %sub3A_38 = arith.subf %mul3A_36, %sub3A_37 : vector<3x2048xf32>
    %tanh3A = math.tanh %sub3A_38 : vector<3x2048xf32>
    %mul3A_39 = arith.constant 0.725455523 : f32
    %mul3A_40 = vector.broadcast %mul3A_39 : f32 to vector<3x2048xf32>
    %mul3A_41 = arith.mulf %mul3A_40, %tanh3A : vector<3x2048xf32>
    %add3A_42 = arith.constant 5.000000e-01 : f32
    %add3A_43 = vector.broadcast %add3A_42 : f32 to vector<3x2048xf32>
    %add3A_44 = arith.addf %mul3A_41, %add3A_43 : vector<3x2048xf32>
    %le3A = arith.constant 0.000000e+00 : f32
    %le3A_45 = vector.broadcast %le3A : f32 to vector<3x2048xf32>
    %le3A_46 = arith.cmpf ole, %get3A_13, %le3A_45 : vector<3x2048xf32>
    %ge3A = arith.constant 1.000000e+00 : f32
    %ge3A_47 = vector.broadcast %ge3A : f32 to vector<3x2048xf32>
    %ge3A_48 = arith.cmpf oge, %get3A_13, %ge3A_47 : vector<3x2048xf32>
    %select_n3A = arith.select %ge3A_48, %add3A_33, %add3A_44 : vector<3x2048xi1>, vector<3x2048xf32>
    %select_n3A_49 = arith.select %le3A_46, %mul3A_27, %select_n3A : vector<3x2048xi1>, vector<3x2048xf32>
    %div3A = vector.broadcast %add3A_25 : vector<1x2048xf32> to vector<3x2048xf32>
    %div3A_50 = arith.divf %get3A_18, %div3A : vector<3x2048xf32>
    %mul3A_51 = vector.broadcast %get3A_3 : vector<1x2048xf32> to vector<3x2048xf32>
    %mul3A_52 = arith.mulf %mul3A_51, %select_n3A_49 : vector<3x2048xf32>
    %sub3A_53 = arith.constant 1.000000e+00 : f32
    %sub3A_54 = vector.broadcast %sub3A_53 : f32 to vector<1x2048xf32>
    %sub3A_55 = arith.subf %sub3A_54, %get3A_3 : vector<1x2048xf32>
    %mul3A_56 = vector.broadcast %sub3A_55 : vector<1x2048xf32> to vector<3x2048xf32>
    %mul3A_57 = arith.mulf %mul3A_56, %div3A_50 : vector<3x2048xf32>
    %add3A_58 = arith.addf %mul3A_52, %mul3A_57 : vector<3x2048xf32>
    %gt3A = arith.constant 5.000000e-01 : f32
    %gt3A_59 = vector.broadcast %gt3A : f32 to vector<1x2048xf32>
    %gt3A_60 = arith.cmpf ogt, %get3A_8, %gt3A_59 : vector<1x2048xf32>
    %broadcast_in_dim3A = vector.shape_cast %gt3A_60 : vector<1x2048xi1> to vector<1x2048xi1>
    %broadcast_in_dim3A_61 = vector.broadcast %broadcast_in_dim3A : vector<1x2048xi1> to vector<3x2048xi1>
    %select_n3A_62 = arith.select %broadcast_in_dim3A_61, %add3A_58, %select_n3A_49 : vector<3x2048xi1>, vector<3x2048xf32>
    %swap3A = arith.constant 0 : index
    %swap3A_63 = arith.constant 0 : index
    %swap3A_64 = arith.constant 0 : index
    %swap3A_65 = vector.load %arg4[%swap3A, %swap3A_63, %swap3A_64] : memref<1x3x2048xf32, #tpu.memory_space<vmem>>, vector<1x3x2048xf32>
    %swap3A_66 = vector.shape_cast %swap3A_65 : vector<1x3x2048xf32> to vector<3x2048xf32>
    %swap3A_67 = vector.shape_cast %select_n3A_62 : vector<3x2048xf32> to vector<1x3x2048xf32>
    tpu.vector_store %arg4[%swap3A, %swap3A_63, %swap3A_64], %swap3A_67 {strides = array<i32>} : memref<1x3x2048xf32, #tpu.memory_space<vmem>>, vector<1x3x2048xf32>,
    return
  }
  func.func @transform_0(%arg0: i32, %arg1: i32) -> (i32, i32, i32) {
    %c2_i32 = arith.constant 2 : i32
    %c0_i32 = arith.constant 0 : i32
    return %arg0, %c2_i32, %arg1 : i32, i32, i32
  }
  func.func @transform_1(%arg0: i32, %arg1: i32) -> (i32, i32, i32) {
    %c0_i32 = arith.constant 0 : i32
    %c0_i32_0 = arith.constant 0 : i32
    return %arg0, %c0_i32, %arg1 : i32, i32, i32
  }
  func.func @transform_2(%arg0: i32, %arg1: i32) -> (i32, i32, i32) {
    %c0_i32 = arith.constant 0 : i32
    %c0_i32_0 = arith.constant 0 : i32
    return %arg0, %c0_i32, %arg1 : i32, i32, i32
  }
}

</mosaic_0001>

<sc_bundles>
// kernel: kernel.8.cloned.1.call-start
scs
__scs_entry_jumppad:
0x0: {  	(pc) =	sbr.rel $0x88, $3  }
0x1: {  	(tag) =	ssettag $0x0;
	lr =	simm.s32 $0x1  }
0x2: {  	[smem:$0x3F9F] =	sst lr;
	_ =	strace $0xD0000000  }
0x3: {  	_ = 	snop  }
0x4: {  	_ = 	snop  }
0x5: {  	_ = 	snop  }
0x6: {  	_ = 	snop  }
0x7: {  	_ = 	snop  }
__scs_overlays_trampoline_lowered:
0x8: {  	[smem:$0x3FAE] =	sst s0  }
0x9: {  	[smem:$0x3FAF] =	sst s1  }
0xa: {  	[smem:$0x3FB0] =	sst s2  }
0xb: {  	[smem:$0x3FB1] =	sst s3  }
0xc: {  	[smem:$0x3FB2] =	sst s4  }
0xd: {  	[smem:$0x3FB3] =	sst s5  }
0xe: {  	[smem:$0x3FB4] =	sst s6  }
0xf: {  	[smem:$0x3FB5] =	sst s7  }
0x10: {  	[smem:$0x3FB6] =	sst s8  }
0x11: {  	[smem:$0x3FB7] =	sst s9;
	s0 =	simm.s32 @!p0 $0x0  }
0x12: {  	s1 =	sld [smem:$0x3F9D];
	s0 =	simm.s32 @p0 $0x1  }
0x13: {  	[smem:$0x3FB8] =	sst s0;
	s0 =	simm.s32 @!p1 $0x0  }
0x14: {  	s2 =	sld [smem:$0x3F9C];
	s0 =	simm.s32 @p1 $0x1  }
0x15: {  	[smem:$0x3FB9] =	sst s0;
	s0 =	simm.s32 @!p2 $0x0  }
0x16: {  	s3 =	sld [smem:$0x3FDB];
	s0 =	simm.s32 @p2 $0x1  }
0x17: {  	s4 =	simm.s32 $0x1BF5;
	[smem:$0x3FBB] =	sst s0  }
0x18: {  	s0 =	sld [smem:$0x3F9E];
	_ =	swait.ge [sflag:s4], $0x0  }
0x19: {  	s7 =	sld [smem:$0x3F9F]  }
0x1a: {  	s8 =	sadd.s32 $0xFFFFE003, lr  }
0x1b: {  	s9 =	sadd.s32 $0xFFFFFEF7, lr;
	s5 =	simm.s32 $0xFFFFFFFF;
	p2 =	slt.u32 s8, $0xFFFFF086  }
0x1c: {  	p1 =	slt.u32 s9, $0xF7A;
	s5 =	simm.s32 @!p2 $0x0  }
0x1d: {  	s5 =	simm.s32 @p1 $0x1;
	p0 =	seq.s32 s7, s2  }
0x1e: {  	s7 =	smul.u32 @!p0 $0xF7A, s2;
	p2 =	seq.s32 @!p0 s5, $0x0  }
0x1f: {  	s9 =	smul.u32 $0xF7A, s1;
	s8 =	simm.s32 @!p0 $0x1BF5;
	p2 =	por !p2, p0  }
0x20: {  	[sflag:s8] =	ssyncset.s32 @!p0 $0xFFFFF086;
	s6 =	sadd.s32 @!p0 s3, s7;
	s7 =	simm.s32 @!p0 $0x108  }
0x21: {  	s3 =	sadd.s32 s3, s9;
	s6 =	sadd.s32 @!p0 $0x88, s6;
	s7 =	simm.s32 @p2 $0x1082  }
0x22: {  	[simem:s7], [sflag:s8] =	dma.local @!p0 [hbm:s6], $0xF7A  }
0x23: {  	s9 =	sor.u32 $0xD0000000, s2;
	s6 =	simm.s32 $0x108;
	_ =	swait.ge @!p0 [sflag:s8], $0x0  }
0x24: {  	s3 =	sadd.s32 $0x88, s3;
	s6 =	simm.s32 @!p1 $0x1082;
	[sflag:s4] =	ssyncset.s32 $0xFFFFF086  }
0x25: {  	[simem:s6], [sflag:s4] =	dma.local [hbm:s3], $0xF7A  }
0x26: {  	[smem:$0x3F9F] =	sst s1;
	(tag) =	ssettag s2;
	_ =	strace s9  }
0x27: {  	s1 =	sld [smem:$0x3FAF]  }
0x28: {  	s2 =	sld [smem:$0x3FB0]  }
0x29: {  	s4 =	sld [smem:$0x3FB2]  }
0x2a: {  	p0 =	seq.s32 s5, $0x0;
	s5 =	sld [smem:$0x3FB3]  }
0x2b: {  	s6 =	sld [smem:$0x3FB4]  }
0x2c: {  	s7 =	sld [smem:$0x3FB5]  }
0x2d: {  	s3 =	simm.s32 $0x108;
	s8 =	sld [smem:$0x3FB6]  }
0x2e: {  	s3 =	simm.s32 @!p0 $0x1082;
	s9 =	sld [smem:$0x3FB7]  }
0x2f: {  	lr =	sadd.s32 s0, s3;
	s0 =	sld [smem:$0x3FAE]  }
0x30: {  	s3 =	sld [smem:$0x3FB1]  }
0x31: {  	[smem:$0x3FBA] =	sst s10  }
0x32: {  	s10 =	sld [smem:$0x3FB8];
	_ =	sdelay $0x3  }
0x33: {  	p0 =	seq.s32 s10, $0x1;
	s10 =	sld [smem:$0x3FBA];
	_ =	sdelay $0x3  }
0x34: {  	[smem:$0x3FBA] =	sst s10  }
0x35: {  	s10 =	sld [smem:$0x3FB9];
	_ =	sdelay $0x3  }
0x36: {  	p1 =	seq.s32 s10, $0x1;
	s10 =	sld [smem:$0x3FBA];
	_ =	sdelay $0x3  }
0x37: {  	[smem:$0x3FBA] =	sst s10  }
0x38: {  	s10 =	sld [smem:$0x3FBB]  }
0x39: {  	_ = 	snop;
	(pc) =	sbr.ind lr, $3  }
0x3a: {  	_ = 	snop  }
0x3b: {  	_ = 	snop  }
0x3c: {  	p2 =	seq.s32 s10, $0x1;
	s10 =	sld [smem:$0x3FBA]  }
0x3d: {  	_ =	shalt  }
0x3e: {  	_ =	shalt  }
0x3f: {  	_ =	shalt  }
0x40: {  	_ =	shalt  }
0x41: {  	_ =	shalt  }
0x42: {  	_ =	shalt  }
0x43: {  	_ =	shalt  }
0x44: {  	_ =	shalt  }
0x45: {  	_ =	shalt  }
0x46: {  	_ =	shalt  }
0x47: {  	_ =	shalt  }
0x48: {  	_ =	shalt  }
0x49: {  	_ =	shalt  }
0x4a: {  	_ =	shalt  }
0x4b: {  	_ =	shalt  }
0x4c: {  	_ =	shalt  }
0x4d: {  	_ =	shalt  }
0x4e: {  	_ =	shalt  }
0x4f: {  	_ =	shalt  }
0x50: {  	_ =	shalt  }
0x51: {  	_ =	shalt  }
0x52: {  	_ =	shalt  }
0x53: {  	_ =	shalt  }
0x54: {  	_ =	shalt  }
0x55: {  	_ =	shalt  }
0x56: {  	_ =	shalt  }
0x57: {  	_ =	shalt  }
0x58: {  	_ =	shalt  }
0x59: {  	_ =	shalt  }
0x5a: {  	_ =	shalt  }
0x5b: {  	_ =	shalt  }
0x5c: {  	_ =	shalt  }
0x5d: {  	_ =	shalt  }
0x5e: {  	_ =	shalt  }
0x5f: {  	_ =	shalt  }
0x60: {  	_ =	shalt  }
0x61: {  	_ =	shalt  }
0x62: {  	_ =	shalt  }
0x63: {  	_ =	shalt  }
0x64: {  	_ =	shalt  }
0x65: {  	_ =	shalt  }
0x66: {  	_ =	shalt  }
0x67: {  	_ =	shalt  }
0x68: {  	_ =	shalt  }
0x69: {  	_ =	shalt  }
0x6a: {  	_ =	shalt  }
0x6b: {  	_ =	shalt  }
0x6c: {  	_ =	shalt  }
0x6d: {  	_ =	shalt  }
0x6e: {  	_ =	shalt  }
0x6f: {  	_ =	shalt  }
0x70: {  	_ =	shalt  }
0x71: {  	_ =	shalt  }
0x72: {  	_ =	shalt  }
0x73: {  	_ =	shalt  }
0x74: {  	_ =	shalt  }
0x75: {  	_ =	shalt  }
0x76: {  	_ =	shalt  }
0x77: {  	_ =	shalt  }
0x78: {  	_ =	shalt  }
0x79: {  	_ =	shalt  }
0x7a: {  	_ =	shalt  }
0x7b: {  	_ =	shalt  }
0x7c: {  	_ =	shalt  }
0x7d: {  	_ =	shalt  }
0x7e: {  	_ =	shalt  }
0x7f: {  	_ =	shalt  }
0x80: {  	_ =	shalt  }
0x81: {  	_ =	shalt  }
0x82: {  	_ =	shalt  }
0x83: {  	_ =	shalt  }
0x84: {  	_ =	shalt  }
0x85: {  	_ =	shalt  }
0x86: {  	_ =	shalt  }
0x87: {  	_ =	shalt  }
.Lfunc_end0:
.L_simem_size_0:
called_computation.1_lowered:
.L_overlay_start_0:
0x88: {  	s2 =	sld [smem:$0x3FD9]  }
0x89: {  	s3 =	sld [smem:$0x3FFE];
	_ =	sdelay $0x1  }
0x8a: {  	s1 =	srdreg.scid  }
0x8b: {  	s0 =	sand.u32 $0x1, s1  }
0x8c: {  	s17 =	sshll.u32 s0, $0xA;
	s2 =	sadd.s32 s3, s2  }
0x8d: {  	s2 =	sadd.s32 s2, s17  }
0x8e: {  	[smem:$0x3FC6] =	sst s2  }
0x8f: {  	_ = 	snop  }
0x90: {  	s2 =	sld [smem:$0x3FD0];
	(tm) =	ssettm $0x1  }
0x91: {  	s18 =	sld [smem:$0x3FFB];
	_ =	sdelay $0x3  }
0x92: {  	_ =	strace s18  }
0x93: {  	s3 =	sld [smem:$0x3FFC];
	_ =	sdelay $0x3  }
0x94: {  	_ =	strace s3  }
0x95: {  	s3 =	sld [smem:$0x3FFD];
	_ =	sdelay $0x3  }
0x96: {  	_ =	strace s3  }
0x97: {  	_ =	strace $0x8FFFFFFF  }
0x98: {  	s19 =	sld [smem:$0x3FDB];
	_ =	sdelay $0x1  }
0x99: {  	s4 =	simm.s32 $_scs_section_size  }
0x9a: {  	s5 =	simm.s32 $_size__tile_overlayer_lowered;
	s6 =	simm.s32 $_tile_overlayer_lowered  }
0x9b: {  	s22 =	simm.s32 $0x1BFF;
	s21 =	sshll.u32 s6, $0x1;
	s3 =	sadd.s32 s4, s19  }
0x9c: {  	s7 =	simm.s32 $0x0;
	s20 =	sshll.u32 s5, $0x1;
	s5 =	sadd.s32 s21, s3  }
0x9d: {  	[timem:s7], [sflag:s22] =	dma.local [hbm:s5], s20  }
0x9e: {  	_ =	swait.ge [sflag:s22], s20  }
0x9f: {  	s4 =	ssub.s32 $0x0, s20;
	[sflag:s22] =	ssyncset.done $0x0  }
0xa0: {  	[sflag:s22] =	ssyncadd.s32 s4;
	_ =	sdelay $0x1  }
0xa1: {  	s23 =	simm.s32 $0x1B8B  }
0xa2: {  	_ =	swait.ge [sflag:s23], $0x1  }
0xa3: {  	[sflag:s23] =	ssyncset.done $0x0  }
0xa4: {  	s25 =	simm.s32 $0x1B8E;
	s24 =	sld [smem:$0x3FFE];
	[sflag:s23] =	ssyncadd.s32 $0xFFFFFFFF  }
0xa5: {  	s26 =	simm.s32 $execute0_lowered;
	[smem:$0x3FD2] =	sst s25  }
0xa6: {  	s5 =	sshll.u32 s26, $0x1;
	_ =	strace $0x80000049;
	[dreg:$0x1] =	wrdreg $0xFFFFFFFF  }
0xa7: {  	s28 =	simm.s32 $_size_execute0_lowered;
	s3 =	sadd.s32 s3, s5;
	[dreg:$0x0] =	wrdreg $0x0  }
0xa8: {  	s5 =	sshll.u32 s28, $0x1;
	[dreg:$0x2] =	wrdreg s3  }
0xa9: {  	[dreg:$0x3] =	wrdreg s5  }
0xaa: {  	[dreg:$0x4] =	wrdreg $0xC0  }
0xab: {  	_ =	task [dreg:s7], $0x5FFFF  }
0xac: {  	[dreg:$0x1] =	wrdreg $0xFFFFFFFF  }
0xad: {  	[dreg:$0x0] =	wrdreg $0x60  }
0xae: {  	[dreg:$0x2] =	wrdreg s24  }
0xaf: {  	[dreg:$0x3] =	wrdreg s2  }
0xb0: {  	[dreg:$0x4] =	wrdreg $0x9  }
0xb1: {  	_ =	task.clear_ibuf [dreg:s7], $0x5FFFF;
	_ =	strace $0x90000049  }
0xb2: {  	s29 =	simm.s32 $0x9;
	_ =	strace $0x8000004B  }
0xb3: {  	_ =	swait.ge [sflag:s29], $0x1  }
0xb4: {  	[sflag:s29] =	ssyncadd.s32 $0xFFFFFFFF  }
0xb5: {  	_ =	strace $0x9000004B  }
0xb6: {  	_ =	sfence  }
0xb7: {  	s30 =	sld [smem:$0x0];
	_ =	sdelay $0x2  }
0xb8: {  	s31 =	sshll.u32 s1, $0xD;
	s1 =	sshrl.u32 s1, $0x2  }
0xb9: {  	s3 =	sand.u32 $0x4000, s31;
	s1 =	sadd.s32 s1, s30  }
0xba: {  	s0 =	sor.u32 s3, s0;
	s1 =	sshll.u32 s1, $0x11  }
0xbb: {  	s0 =	sor.u32 s1, s0  }
0xbc: {  	s0 =	sadd.s32 $0x8F2B, s0  }
0xbd: {  	[sflag:s0] =	ssyncadd.remote.s32 $0x1  }
0xbe: {  	_ =	sfence.sel $0xFFFF  }
0xbf: {  	[dreg:$0x0] =	wrdreg $0xFFFFFFFF;
	(pc) =	sbr.abs _section_cstart, $3  }
0xc0: {  	[dreg:$0x1] =	wrdreg $0xFFFFFFFF  }
0xc1: {  	_ =	task.clear_ibuf [dreg:s7], $0x2FFFF;
	_ =	strace $0x9FFFFFFF  }
0xc2: {  	(tm) =	ssettm $0x7FFFFFFF  }
0xc3: {  	_ =	shalt  }
tec
execute0_lowered:
.L_overlay_start_1:
0x0: {  	(tag) =	ssettag $0x1  }
0x1: {  	s4 =	rddreg [dreg:$0x0]  }
0x2: {  	s5 =	rddreg [dreg:$0x1]  }
0x3: {  	s0 =	rddreg [dreg:$0x2]  }
0x4: {  	s3 =	srdreg.scid;
	s1 =	stileid.u32  }
0x5: {  	s2 =	simm.s32 $0x0;
	s10 =	simm.s32 $0x6400;
	s11 =	simm.s32 $0xA400  }
0x6: {  	s12 =	simm.s32 $0xE400;
	s13 =	simm.s32 $0x1;
	s14 =	simm.s32 $0x0  }
0x7: {  	s3 =	sand.u32 $0x1, s3;
	s6 =	smul.u32 $0x240000, s1;
	[smem:$0x7FF] =	sst s2  }
0x8: {  	s8 =	sshll.u32 s1, $0x1;
	s7 =	smul.u32 $0x120000, s3;
	s9 =	ssub.s32 $0x2, s3  }
0x9: {  	_ =	strace $0x8000004A;
	s3 =	sor.u32 s3, s8;
	s31 =	sshrl.u32 s9, $0x1  }
0xa: {  	s8 =	smul.u32 $0x480, s3;
	s3 =	sadd.s32 $0x2000, s4;
	s6 =	sadd.s32 s7, s6  }
0xb: {  	s7 =	ssub.s32 s9, s31;
	s9 =	simm.s32 $0x2400;
	s6 =	sshrl.u32 s6, $0x3  }
0xc: {  	s6 =	sadd.s32 s6, s4;
	s4 =	sadd.s32 s5, s8;
	s5 =	smax.u32 s7, $0x1  }
0xd: {  	s7 =	simm.s32 $0x2;
	s8 =	simm.s32 $0x80;
	s6 =	sadd.s32 $0x4AE000, s6  }
.LBB2_1:
0xe: {  	[tilespmem:s2], [sflag:$0x2] =	stream.linear.gather [hbm4b:s4+s2], $0x2400, $0x38;
	[tilespmem:$0x12400] =	vst v63  }
0xf: {  	_ =	swait.ge [sflag:s7], $0x2400  }
0x10: {  	[sflag:s7] =	ssyncset.done $0x0  }
0x11: {  	s15 =	simm.s32 $0x0;
	[sflag:s7] =	ssyncadd.s32 $0xFFFFDC00  }
0x12: {  	[tilespmem:s9], [sflag:$0x1] =	stream.indirect.gather [hbm4b:s3+s8], $0x80, s15, s8, $0xb8;
	[tilespmem:$0x12400] =	vst v63  }
0x13: {  	s28 =	simm.s32 $0x80  }
0x14: {  	[tilespmem:s10], [sflag:$0x1] =	stream.indirect.gather [hbm4b:s3+s8], $0x80, s28, s8, $0xb8;
	[tilespmem:$0x12400] =	vst v63  }
0x15: {  	s29 =	simm.s32 $0x100  }
0x16: {  	[tilespmem:s11], [sflag:$0x1] =	stream.indirect.gather [hbm4b:s3+s8], $0x80, s29, s8, $0xb8;
	[tilespmem:$0x12400] =	vst v63  }
0x17: {  	s30 =	simm.s32 $0x180  }
0x18: {  	[tilespmem:s12], [sflag:$0x1] =	stream.indirect.gather [hbm4b:s3+s8], $0x80, s30, s8, $0xb8;
	[tilespmem:$0x12400] =	vst v63  }
0x19: {  	_ =	swait.ge [sflag:s13], $0x4000  }
0x1a: {  	[sflag:s13] =	ssyncset.done $0x0  }
0x1b: {  	[sflag:s13] =	ssyncadd.s32 $0xFFFFC000  }
0x1c: {  	_ =	swait.ge [sflag:s13], $0x4000  }
0x1d: {  	[sflag:s13] =	ssyncset.done $0x0  }
0x1e: {  	[sflag:s13] =	ssyncadd.s32 $0xFFFFC000  }
0x1f: {  	_ =	swait.ge [sflag:s13], $0x4000  }
0x20: {  	[sflag:s13] =	ssyncset.done $0x0  }
0x21: {  	[sflag:s13] =	ssyncadd.s32 $0xFFFFC000  }
0x22: {  	_ =	swait.ge [sflag:s13], $0x4000  }
0x23: {  	[sflag:s13] =	ssyncset.done $0x0  }
0x24: {  	s31 =	sadd.s32 $0x0, s6;
	[sflag:s13] =	ssyncadd.s32 $0xFFFFC000  }
0x25: {  	[hbm4b:s31+s2] =	stream.linear.scatter [tilespmem:s9], [sflag:$0x2], $0x10000, $0x38;
	[tilespmem:$0x12400] =	vst v63  }
0x26: {  	s17 =	simm.s32 $0x4000;
	_ =	swait.ge [sflag:s7], $0x10000  }
0x27: {  	s16 =	simm.s32 $0x380;
	s15 =	simm.s32 $0x2000;
	[sflag:s7] =	ssyncset.done $0x0  }
.LBB2_2:
0x28: {  	p0 =	sne.s32 s17, $0x22000;
	s18 =	sadd.s32 $0xFFFFFE80, s16;
	[sflag:s7] =	ssyncadd.s32 $0xFFFF0000  }
0x29: {  	[tilespmem:s9], [sflag:$0x1] =	stream.indirect.gather [hbm4b:s3+s8], $0x80, s18, s8, $0xb8;
	[tilespmem:$0x12400] =	vst v63  }
0x2a: {  	s19 =	smov.u32 s17;
	s17 =	sadd.s32 $0x2000, s17;
	s18 =	sadd.s32 $0xFFFFFF00, s16  }
0x2b: {  	[tilespmem:s10], [sflag:$0x1] =	stream.indirect.gather [hbm4b:s3+s8], $0x80, s18, s8, $0xb8;
	[tilespmem:$0x12400] =	vst v63  }
0x2c: {  	s18 =	sadd.s32 $0xFFFFFF80, s16  }
0x2d: {  	[tilespmem:s11], [sflag:$0x1] =	stream.indirect.gather [hbm4b:s3+s8], $0x80, s18, s8, $0xb8;
	[tilespmem:$0x12400] =	vst v63  }
0x2e: {  	_ = 	snop  }
0x2f: {  	[tilespmem:s12], [sflag:$0x1] =	stream.indirect.gather [hbm4b:s3+s8], $0x80, s16, s8, $0xb8;
	[tilespmem:$0x12400] =	vst v63  }
0x30: {  	_ =	swait.ge [sflag:s13], $0x4000  }
0x31: {  	[sflag:s13] =	ssyncset.done $0x0  }
0x32: {  	[sflag:s13] =	ssyncadd.s32 $0xFFFFC000  }
0x33: {  	_ =	swait.ge [sflag:s13], $0x4000  }
0x34: {  	[sflag:s13] =	ssyncset.done $0x0  }
0x35: {  	[sflag:s13] =	ssyncadd.s32 $0xFFFFC000  }
0x36: {  	_ =	swait.ge [sflag:s13], $0x4000  }
0x37: {  	[sflag:s13] =	ssyncset.done $0x0  }
0x38: {  	[sflag:s13] =	ssyncadd.s32 $0xFFFFC000  }
0x39: {  	_ =	swait.ge [sflag:s13], $0x4000  }
.Ltmp0:
0x3a: {  	[sflag:s13] =	ssyncset.done $0x0;
	(pc) =	sbr.rel @p0 .LBB2_2-.Ltmp0, $4  }
0x3b: {  	s18 =	sadd.s32 s15, s6;
	s15 =	smov.u32 s19;
	[sflag:s13] =	ssyncadd.s32 $0xFFFFC000  }
0x3c: {  	[hbm4b:s18+s2] =	stream.linear.scatter [tilespmem:s9], [sflag:$0x2], $0x10000, $0x38;
	[tilespmem:$0x12400] =	vst v63  }
0x3d: {  	_ =	swait.ge [sflag:s7], $0x10000  }
0x3e: {  	s16 =	sadd.s32 $0x200, s16;
	[sflag:s7] =	ssyncset.done $0x0  }
0x3f: {  	s17 =	sadd.s32 $0xFFFFFE80, s16;
	[sflag:s7] =	ssyncadd.s32 $0xFFFF0000  }
0x40: {  	[tilespmem:s9], [sflag:$0x1] =	stream.indirect.gather [hbm4b:s3+s8], $0x80, s17, s8, $0xb8;
	[tilespmem:$0x12400] =	vst v63  }
0x41: {  	s30 =	sadd.s32 $0xFFFFFF00, s16  }
0x42: {  	[tilespmem:s10], [sflag:$0x1] =	stream.indirect.gather [hbm4b:s3+s8], $0x80, s30, s8, $0xb8;
	[tilespmem:$0x12400] =	vst v63  }
0x43: {  	s31 =	sadd.s32 $0xFFFFFF80, s16  }
0x44: {  	[tilespmem:s11], [sflag:$0x1] =	stream.indirect.gather [hbm4b:s3+s8], $0x80, s31, s8, $0xb8;
	[tilespmem:$0x12400] =	vst v63  }
0x45: {  	_ = 	snop  }
0x46: {  	[tilespmem:s12], [sflag:$0x1] =	stream.indirect.gather [hbm4b:s3+s8], $0x80, s16, s8, $0xb8;
	[tilespmem:$0x12400] =	vst v63  }
0x47: {  	_ =	swait.ge [sflag:s13], $0x4000  }
0x48: {  	[sflag:s13] =	ssyncset.done $0x0  }
0x49: {  	[sflag:s13] =	ssyncadd.s32 $0xFFFFC000  }
0x4a: {  	_ =	swait.ge [sflag:s13], $0x4000  }
0x4b: {  	[sflag:s13] =	ssyncset.done $0x0  }
0x4c: {  	[sflag:s13] =	ssyncadd.s32 $0xFFFFC000  }
0x4d: {  	_ =	swait.ge [sflag:s13], $0x4000  }
0x4e: {  	[sflag:s13] =	ssyncset.done $0x0  }
0x4f: {  	[sflag:s13] =	ssyncadd.s32 $0xFFFFC000  }
0x50: {  	s14 =	sadd.s32 $0x1, s14;
	_ =	swait.ge [sflag:s13], $0x4000  }
0x51: {  	p0 =	sne.s32 s14, s5;
	[sflag:s13] =	ssyncset.done $0x0  }
.Ltmp1:
0x52: {  	s15 =	sadd.s32 s15, s6;
	[sflag:s13] =	ssyncadd.s32 $0xFFFFC000;
	(pc) =	sbr.rel @p0 .LBB2_1-.Ltmp1, $4  }
0x53: {  	[hbm4b:s15+s2] =	stream.linear.scatter [tilespmem:s9], [sflag:$0x2], $0x10000, $0x38;
	[tilespmem:$0x12400] =	vst v63  }
0x54: {  	_ =	swait.ge [sflag:s7], $0x10000  }
0x55: {  	[sflag:s7] =	ssyncset.done $0x0  }
0x56: {  	[sflag:s7] =	ssyncadd.s32 $0xFFFF0000  }
0x57: {  	_ =	sfence.sel $0x180000  }
0x58: {  	[bflag:$0x0] =	sbarrier.arrive $0xFFFF  }
0x59: {  	p0 =	sne.s32 s1, $0x0;
	_ =	strace $0x9000004A  }
0x5a: {  	s0 =	sadd.s32 @!p0 $0x100000, s0;
	[bflag:$0x2] =	sbarrier.arrive $0xFFFF  }
0x5b: {  	[sflag:s0] =	ssyncadd.tile.s32 @!p0 $0x1;
	_ =	shalt  }
.Lfunc_end2:
_tile_overlayer_lowered:
.L_overlay_start_2:
0x5c: {  	(tag) =	ssettag $0x2  }
0x5d: {  	s0 =	rddreg [dreg:$0x0];
	s2 =	stileid.u32  }
0x5e: {  	s1 =	rddreg [dreg:$0x1];
	p0 =	sne.s32 s2, $0x0  }
0x5f: {  	s3 =	rddreg [dreg:$0x2];
	[bflag:$0x3] =	sbarrier.arrive $0xFFFF;
	s2 =	simm.s32 @!p0 $0x1C02  }
0x60: {  	[timem:s3], [sflag:s2] =	dma.local @!p0 [hbm:s0], s1  }
0x61: {  	s0 =	simm.s32 @!p0 $0x2  }
0x62: {  	_ =	swait.ge @!p0 [sflag:s0], s1  }
0x63: {  	s1 =	ssub.s32 @!p0 $0x0, s1;
	[sflag:s0] =	ssyncset.done @!p0 $0x0  }
0x64: {  	[sflag:s0] =	ssyncadd.s32 @!p0 s1  }
0x65: {  	[bflag:$0x3] =	sbarrier.arrive $0xFFFF  }
0x66: {  	_ =	shalt  }

// kernel: sparse-core-data-format-call.cloned.1.call-start
scs
called_computation_lowered:
.L_overlay_start_0:
0x0: {  	s1 =	sld [smem:$0x3FD9]  }
0x1: {  	s2 =	sld [smem:$0x3FFE];
	_ =	sdelay $0x1  }
0x2: {  	s3 =	srdreg.scid  }
0x3: {  	s0 =	sand.u32 $0x1, s3  }
0x4: {  	s17 =	sshll.u32 s0, $0xA;
	s1 =	sadd.s32 s2, s1  }
0x5: {  	s1 =	sadd.s32 s1, s17  }
0x6: {  	[smem:$0x3FC6] =	sst s1  }
0x7: {  	_ = 	snop  }
0x8: {  	(tm) =	ssettm $0x1  }
0x9: {  	s18 =	sld [smem:$0x3FFB];
	_ =	sdelay $0x3  }
0xa: {  	_ =	strace s18  }
0xb: {  	s1 =	sld [smem:$0x3FFC];
	_ =	sdelay $0x3  }
0xc: {  	_ =	strace s1  }
0xd: {  	s1 =	sld [smem:$0x3FFD];
	_ =	sdelay $0x3  }
0xe: {  	_ =	strace s1  }
0xf: {  	_ =	strace $0x8FFFFFFF  }
0x10: {  	s19 =	sld [smem:$0x3FDB];
	_ =	sdelay $0x1  }
0x11: {  	s20 =	simm.s32 $_scs_section_size  }
0x12: {  	s4 =	simm.s32 $_size__tile_overlayer_lowered;
	s5 =	simm.s32 $_tile_overlayer_lowered  }
0x13: {  	s23 =	simm.s32 $0x1BFF;
	s22 =	sshll.u32 s5, $0x1;
	s1 =	sadd.s32 s20, s19  }
0x14: {  	s6 =	simm.s32 $0x0;
	s21 =	sshll.u32 s4, $0x1;
	s4 =	sadd.s32 s22, s1  }
0x15: {  	[timem:s6], [sflag:s23] =	dma.local [hbm:s4], s21  }
0x16: {  	_ =	swait.ge [sflag:s23], s21  }
0x17: {  	s2 =	ssub.s32 $0x0, s21;
	[sflag:s23] =	ssyncset.done $0x0  }
0x18: {  	[sflag:s23] =	ssyncadd.s32 s2;
	_ =	sdelay $0x1  }
0x19: {  	s24 =	simm.s32 $0x1B8B  }
0x1a: {  	_ =	swait.ge [sflag:s24], $0x1  }
0x1b: {  	[sflag:s24] =	ssyncset.done $0x0  }
0x1c: {  	s26 =	simm.s32 $0x1B8E;
	s25 =	sld [smem:$0x3FFE];
	[sflag:s24] =	ssyncadd.s32 $0xFFFFFFFF  }
0x1d: {  	s27 =	simm.s32 $execute0_lowered;
	[smem:$0x3FD2] =	sst s26  }
0x1e: {  	s4 =	sshll.u32 s27, $0x1;
	_ =	strace $0x80000046;
	[dreg:$0x1] =	wrdreg $0xFFFFFFFF  }
0x1f: {  	s28 =	simm.s32 $_size_execute0_lowered;
	s1 =	sadd.s32 s1, s4;
	[dreg:$0x0] =	wrdreg $0x0  }
0x20: {  	s4 =	sshll.u32 s28, $0x1;
	[dreg:$0x2] =	wrdreg s1  }
0x21: {  	[dreg:$0x3] =	wrdreg s4  }
0x22: {  	[dreg:$0x4] =	wrdreg $0xC0  }
0x23: {  	_ =	task [dreg:s6], $0x5FFFF  }
0x24: {  	[dreg:$0x1] =	wrdreg $0xFFFFFFFF  }
0x25: {  	[dreg:$0x0] =	wrdreg $0x60  }
0x26: {  	[dreg:$0x2] =	wrdreg s25  }
0x27: {  	[dreg:$0x3] =	wrdreg $0x9  }
0x28: {  	_ =	task.clear_ibuf [dreg:s6], $0x4FFFF;
	_ =	strace $0x90000046  }
0x29: {  	s29 =	simm.s32 $0x9;
	_ =	strace $0x80000048  }
0x2a: {  	_ =	swait.ge [sflag:s29], $0x1  }
0x2b: {  	[sflag:s29] =	ssyncadd.s32 $0xFFFFFFFF  }
0x2c: {  	_ =	strace $0x90000048  }
0x2d: {  	_ =	sfence  }
0x2e: {  	s30 =	sld [smem:$0x0];
	_ =	sdelay $0x2  }
0x2f: {  	s31 =	sshll.u32 s3, $0xD;
	s3 =	sshrl.u32 s3, $0x2  }
0x30: {  	s2 =	sand.u32 $0x4000, s31;
	s1 =	sadd.s32 s3, s30  }
0x31: {  	s0 =	sor.u32 s2, s0;
	s1 =	sshll.u32 s1, $0x11  }
0x32: {  	s0 =	sor.u32 s1, s0  }
0x33: {  	s0 =	sadd.s32 $0x8F2B, s0  }
0x34: {  	[sflag:s0] =	ssyncadd.remote.s32 $0x1  }
0x35: {  	_ =	sfence.sel $0xFFFF  }
0x36: {  	[dreg:$0x0] =	wrdreg $0xFFFFFFFF;
	(pc) =	sbr.abs _section_cstart, $3  }
0x37: {  	[dreg:$0x1] =	wrdreg $0xFFFFFFFF  }
0x38: {  	_ =	task.clear_ibuf [dreg:s6], $0x2FFFF;
	_ =	strace $0x9FFFFFFF  }
0x39: {  	(tm) =	ssettm $0x7FFFFFFF  }
tec
execute0_lowered:
.L_overlay_start_1:
0x0: {  	(tag) =	ssettag $0x1  }
0x1: {  	s0 =	stileid.u32  }
0x2: {  	s1 =	srdreg.scid;
	s7 =	rddreg [dreg:$0x0]  }
0x3: {  	s31 =	simm.s32 $0x2;
	s16 =	simm.s32 $0x0;
	s9 =	simm.s32 $0x12B000  }
0x4: {  	s10 =	simm.s32 $0x0;
	s2 =	sshll.u32 s0, $0x6;
	s1 =	sshll.u32 s1, $0xA  }
0x5: {  	s15 =	simm.s32 $0x0;
	s17 =	simm.s32 $0x0;
	s1 =	sor.u32 s2, s1  }
0x6: {  	s13 =	simm.s32 $0x0;
	s3 =	sand.u32 $0x1, s0;
	s2 =	sand.u32 $0x780, s1  }
0x7: {  	s5 =	ssub.s32 $0x2, s3;
	s1 =	rddreg [dreg:$0x1];
	s4 =	ssub.s32 $0x25600, s2  }
0x8: {  	s8 =	sshrl.u32 s5, $0x1;
	s5 =	sand.u32 $0x1, s5;
	s6 =	sand.u32 $0x780, s4  }
0x9: {  	_ =	strace $0x80000047;
	p0 =	sne.s32 s6, $0x0;
	s6 =	simm.s32 $0x1  }
.Ltmp0:
0xa: {  	s4 =	sshrl.u32 s4, $0xB;
	s6 =	simm.s32 @!p0 $0x0;
	(pc) =	sbr.rel .LBB1_1-.Ltmp0, $4  }
0xb: {  	s8 =	sadd.s32 s5, s8;
	s5 =	simm.s32 $0x1;
	s6 =	sadd.s32 s6, s4  }
0xc: {  	s14 =	simm.s32 $0x0;
	[sflag:s5] =	ssyncpa.u1 $0x0;
	s6 =	smul.u32 s8, s6  }
0xd: {  	s12 =	smov.u32 s3;
	s11 =	smov.u32 s2;
	[sflag:s31] =	ssyncpa.u1 $0x0  }
0xe: {  	s4 =	sadd.s32 $0x2000, s7;
	s7 =	sadd.s32 $0x49B600, s7;
	s8 =	sadd.s32 $0x1, s6  }
.LBB1_4:
0xf: {  	_ =	sdelay $0x2  }
0x10: {  	s21 =	sshrl.u32 s17, $0x3  }
0x11: {  	[tilespmem:v0+s20+$0xFFFFFFD0 ss:$0x1] =	vst.idx.msk $0xffff, v7;
	s22 =	sshll.u32 s16, $0x3;
	s21 =	smul.u32 $0x12B000, s21  }
0x12: {  	v56 =	vld.idx.msk [tilespmem:v1+s19+$0x0 ss:$0x1], $0xffff;
	[tilespmem:v0+s20+$0xFFFFFFE0 ss:$0x1] =	vst.idx.msk $0xffff, v5;
	s27 =	sshll.u32 s17, $0x7;
	s22 =	sand.u32 $0xFFFFFC00, s22  }
0x13: {  	v57 =	vld.idx.msk [tilespmem:v1+s19+$0xFFFFFF90 ss:$0x1], $0xffff;
	[tilespmem:v0+s20+$0xFFFFFFF0 ss:$0x1] =	vst.idx.msk $0xffff, v4;
	s17 =	sand.u32 $0x380, s27;
	s21 =	sadd.s32 s21, s22  }
0x14: {  	v58 =	vld.idx.msk [tilespmem:v1+s19+$0xFFFFFFA0 ss:$0x1], $0xffff;
	[tilespmem:v0+s20+$0x0 ss:$0x1] =	vst.idx.msk $0xffff, v2;
	s28 =	sand.u32 $0x7F, s16;
	s17 =	sor.u32 s17, s21  }
0x15: {  	v59 =	vld.idx.msk [tilespmem:v1+s19+$0xFFFFFFB0 ss:$0x1], $0xffff;
	[tilespmem:v0+s20+$0x10 ss:$0x1] =	vst.idx.msk $0xffff, v3;
	s16 =	sor.u32 s28, s17  }
0x16: {  	v60 =	vld.idx.msk [tilespmem:v1+s19+$0xFFFFFFC0 ss:$0x1], $0xffff;
	[tilespmem:v0+s20+$0x20 ss:$0x1] =	vst.idx.msk $0xffff, v6;
	s29 =	smulhi.u32 $0x6D978B8F, s16  }
0x17: {  	v61 =	vld.idx.msk [tilespmem:v1+s19+$0xFFFFFFD0 ss:$0x1], $0xffff;
	[tilespmem:v0+s19+$0x30 ss:$0x1] =	vst.idx.msk $0xffff, v56;
	s17 =	smulhi.u32 $0x6D978B8F, s17  }
0x18: {  	v62 =	vld.idx.msk [tilespmem:v1+s19+$0xFFFFFFE0 ss:$0x1], $0xffff;
	[tilespmem:v0+s19+$0xFFFFFFC0 ss:$0x1] =	vst.idx.msk $0xffff, v57;
	s20 =	sshrl.u32 s29, $0x10  }
0x19: {  	v63 =	vld.idx.msk [tilespmem:v1+s19+$0xFFFFFFF0 ss:$0x1], $0xffff;
	[tilespmem:v0+s19+$0xFFFFFFD0 ss:$0x1] =	vst.idx.msk $0xffff, v58;
	s17 =	sshrl.u32 s17, $0x10;
	s20 =	smul.u32 $0x25600, s20  }
0x1a: {  	s15 =	smul.u32 $0x256000, s15;
	[tilespmem:v0+s19+$0xFFFFFFE0 ss:$0x1] =	vst.idx.msk $0xffff, v59;
	s17 =	sand.u32 $0x7F, s17  }
0x1b: {  	[tilespmem:v0+s19+$0xFFFFFFF0 ss:$0x1] =	vst.idx.msk $0xffff, v60;
	s17 =	smul.u32 $0x4AC0, s17;
	s16 =	ssub.s32 s16, s20  }
0x1c: {  	s15 =	sadd.s32 s7, s15;
	[tilespmem:v0+s19+$0x0 ss:$0x1] =	vst.idx.msk $0xffff, v61;
	s20 =	sand.u32 $0x7, s16  }
0x1d: {  	[tilespmem:v0+s19+$0x10 ss:$0x1] =	vst.idx.msk $0xffff, v62;
	s15 =	sadd.s32 s17, s15;
	s16 =	sshrl.u32 s16, $0x3;
	s30 =	sshll.u32 s20, $0x12  }
0x1e: {  	[tilespmem:v0+s19+$0x20 ss:$0x1] =	vst.idx.msk $0xffff, v63;
	s15 =	sadd.s32 s16, s15;
	s31 =	sor.u32 $0x400, s30  }
0x1f: {  	[hbm4b:s15+s31] =	stream.strided.scatter [tilespmem:s18], [sflag:$0x2], $0x4000, s9, s31, $0x38;
	[tilespmem:$0x10000] =	vst v63  }
.LBB1_5:
0x20: {  	s18 =	sadd.s32 $0x800, s11  }
0x21: {  	s15 =	sadd.s32 $0x2, s12;
	s19 =	smov.u32 s12;
	p1 =	sgt.s32 s18, $0x255FF  }
0x22: {  	s19 =	smov.u32 @p1 s15  }
0x23: {  	s21 =	smov.u32 s13;
	s15 =	sadd.s32 $0x80, s13;
	p2 =	sgt.s32 s19, $0x1  }
0x24: {  	s21 =	smov.u32 @p2 s15  }
0x25: {  	s18 =	smov.u32 @p1 s2;
	p1 =	sgt.s32 s21, $0x7D  }
0x26: {  	p0 =	slt.u32 s14, $0x2;
	s21 =	simm.s32 @p1 $0x0;
	p1 =	sne.s32 s14, s8  }
.Ltmp1:
0x27: {  	s20 =	simm.s32 @!p0 $0x2;
	(pc) =	sbr.rel @!p1 .LBB1_6-.Ltmp1, $4  }
0x28: {  	s16 =	smov.u32 s11;
	s17 =	smov.u32 s13;
	_ =	swait.ge @!p0 [sflag:s20], $0x4000  }
0x29: {  	s10 =	sadd.s32 $0x4000, s10;
	[sflag:s20] =	ssyncset.done @!p0 $0x0;
	s11 =	smov.u32 s18  }
0x2a: {  	s19 =	smov.u32 @p2 s3;
	s15 =	smov.u32 s12;
	[sflag:s20] =	ssyncadd.s32 @!p0 $0xFFFFC000  }
0x2b: {  	s12 =	smov.u32 s19;
	s14 =	sadd.s32 $0x1, s14;
	s13 =	smov.u32 s21  }
.LBB1_1:
0x2c: {  	p0 =	sge.u32 s14, s6;
	s18 =	smov.u32 s13  }
0x2d: {  	p1 =	sgt.s32 @!p0 s13, $0xFFFFFFFE;
	s19 =	sshra.s32 @!p0 s13, $0x1F;
	s20 =	sshrl.u32 @!p0 s12, $0x1  }
0x2e: {  	s21 =	sshll.u32 @!p0 s11, $0x1;
	s23 =	sshra.s32 @!p0 s11, $0x1F;
	p1 =	por !p1, p0  }
0x2f: {  	s19 =	sand.u32 @!p0 s19, s13;
	s20 =	smul.u32 @!p0 $0x4AC00, s20;
	s18 =	simm.s32 @p1 $0xFFFFFFFE  }
0x30: {  	s21 =	sand.u32 @!p0 $0xFFFFFF00, s21;
	s23 =	sand.u32 @!p0 s23, s11;
	s18 =	ssub.s32 @!p0 s18, s19  }
0x31: {  	s20 =	sadd.s32 @!p0 s20, s21;
	s21 =	sshll.u32 @!p0 s12, $0x7;
	s22 =	sadd.s32 @!p0 $0x2, s18  }
0x32: {  	s19 =	sand.u32 @!p0 $0x7F, s11;
	s21 =	sand.u32 @!p0 $0x80, s21;
	p1 =	sgt.s32 @!p0 s22, $0x7F  }
0x33: {  	s18 =	ssub.s32 @!p0 $0x7E, s18;
	s22 =	sshra.s32 @!p0 s12, $0x1F;
	p1 =	por !p1, p0  }
0x34: {  	s19 =	sor.u32 @!p0 s19, s21;
	s18 =	simm.s32 @!p1 $0x0;
	p1 =	sgt.s32 @!p0 s12, $0x1  }
0x35: {  	s21 =	smov.u32 s12;
	s22 =	sand.u32 @!p0 s22, s12;
	p1 =	por !p1, p0  }
0x36: {  	s22 =	sxor.u32 @!p0 $0xFFFFFFFF, s22;
	s21 =	simm.s32 @p1 $0x1;
	p1 =	sgt.s32 @!p0 s11, $0x25580  }
0x37: {  	s21 =	sadd.s32 @!p0 s22, s21;
	p1 =	por !p1, p0;
	s22 =	smov.u32 s11  }
0x38: {  	s19 =	sor.u32 @!p0 s20, s19;
	s22 =	simm.s32 @p1 $0x25580;
	p1 =	sgt.s32 @!p0 s21, $0x0  }
0x39: {  	s20 =	smulhi.u32 @!p0 $0x6D978B8F, s20;
	s21 =	ssub.s32 @!p0 $0x1, s21;
	p1 =	por !p1, p0  }
0x3a: {  	s24 =	smulhi.u32 @!p0 $0x6D978B8F, s19;
	s22 =	ssub.s32 @!p0 s22, s23;
	s21 =	simm.s32 @!p1 $0x0  }
0x3b: {  	s20 =	sshrl.u32 @!p0 s20, $0x10;
	s18 =	smul.u32 @!p0 s21, s18;
	s21 =	sadd.s32 @!p0 $0xFFFDAA80, s22  }
0x3c: {  	s23 =	sxor.u32 @!p0 $0xFFFFFFFF, s14;
	s22 =	ssub.s32 @!p0 $0x25600, s22;
	p1 =	sgt.s32 @!p0 s21, $0x7F  }
0x3d: {  	s21 =	sshll.u32 @!p0 s23, $0xE;
	s23 =	sshrl.u32 @!p0 s24, $0x10;
	p1 =	por !p1, p0  }
0x3e: {  	s20 =	sand.u32 @!p0 $0x1, s20;
	s23 =	smul.u32 @!p0 $0x25600, s23;
	s22 =	simm.s32 @!p1 $0x0  }
0x3f: {  	s31 =	sadd.s32 $0xFFFFFFFF, s14;
	p1 =	seq.s32 @!p0 s20, $0x1;
	s18 =	smul.u32 @!p0 s22, s18  }
0x40: {  	s20 =	simm.s32 @!p0 $0x4AC0;
	s22 =	smul.u32 @!p0 $0x9580, s13;
	p1 =	por !p1, p0  }
0x41: {  	s21 =	sand.u32 @!p0 $0x4000, s21;
	s19 =	ssub.s32 @!p0 s19, s23;
	s20 =	simm.s32 @p1 $0x0  }
0x42: {  	s23 =	sand.u32 @!p0 $0x7, s19;
	s19 =	sshrl.u32 @!p0 s19, $0x3;
	s22 =	sadd.s32 @!p0 s4, s22  }
0x43: {  	s18 =	sand.u32 @!p0 $0x3FFFFFFF, s18;
	s20 =	sadd.s32 @!p0 s20, s22;
	s22 =	sshll.u32 @!p0 s23, $0x12  }
0x44: {  	s19 =	sadd.s32 @!p0 s19, s20;
	s20 =	sor.u32 @!p0 $0x80, s22;
	s22 =	simm.s32 @!p0 $0x4AC00  }
0x45: {  	[tilespmem:s21], [sflag:$0x1] =	stream.strided.gather @!p0 [hbm4b:s19+s20], s18, s22, s20, $0x38;
	[tilespmem:$0x10000] =	vst v63  }
0x46: {  	p0 =	sge.u32 s31, s6  }
.Ltmp2:
0x47: {  	_ = 	snop;
	(pc) =	sbr.rel @p0 .LBB1_5-.Ltmp2, $1  }
0x48: {  	_ =	sdelay $0x3  }
0x49: {  	p0 =	sgt.s32 s17, $0xFFFFFFFE;
	s18 =	smov.u32 s17;
	s19 =	sshra.s32 s17, $0x1F  }
0x4a: {  	p1 =	sgt.s32 s15, $0x1;
	s18 =	simm.s32 @!p0 $0xFFFFFFFE;
	s19 =	sand.u32 s19, s17  }
0x4b: {  	s20 =	sshra.s32 s15, $0x1F;
	s21 =	smov.u32 s16;
	s18 =	ssub.s32 s18, s19  }
0x4c: {  	s22 =	sshra.s32 s16, $0x1F;
	s20 =	sand.u32 s20, s15;
	s19 =	sadd.s32 $0x2, s18  }
0x4d: {  	s27 =	sand.u32 s22, s16;
	p0 =	sgt.s32 s19, $0x7F;
	s19 =	smov.u32 s15  }
0x4e: {  	s20 =	sxor.u32 $0xFFFFFFFF, s20;
	s19 =	simm.s32 @!p1 $0x1;
	p1 =	sgt.s32 s16, $0x25580  }
0x4f: {  	s18 =	ssub.s32 $0x7E, s18;
	s19 =	sadd.s32 s20, s19;
	s21 =	simm.s32 @!p1 $0x25580  }
0x50: {  	p1 =	sgt.s32 s19, $0x0;
	s19 =	ssub.s32 $0x1, s19;
	s20 =	ssub.s32 s21, s27  }
0x51: {  	s18 =	simm.s32 @p0 $0x0;
	s19 =	simm.s32 @p1 $0x0;
	s21 =	sadd.s32 $0xFFFDAA80, s20  }
0x52: {  	s18 =	smul.u32 s19, s18;
	p0 =	sgt.s32 s21, $0x7F;
	s19 =	ssub.s32 $0x25600, s20  }
0x53: {  	s28 =	sand.u32 $0x4000, s10;
	s19 =	simm.s32 @p0 $0x0  }
0x54: {  	s29 =	sor.u32 $0x70, s28;
	s18 =	smul.u32 s19, s18  }
0x55: {  	v1 =	vmov s29  }
0x56: {  	s18 =	sand.u32 $0x3FFFFFFF, s18  }
0x57: {  	_ =	swait.ge [sflag:s5], s18  }
0x58: {  	s18 =	ssub.s32 $0x0, s18;
	[sflag:s5] =	ssyncset.done $0x0  }
0x59: {  	s20 =	simm.s32 $0x0;
	[sflag:s5] =	ssyncadd.s32 s18  }
0x5a: {  	s30 =	sor.u32 $0x8040, s28;
	v6 =	vld.idx.msk [tilespmem:v1+s20+$0x0 ss:$0x1], $0xffff  }
0x5b: {  	v0 =	vmov s30;
	v8 =	vld.idx.msk [tilespmem:v1+s20+$0xFFFFFF90 ss:$0x1], $0xffff  }
0x5c: {  	v7 =	vld.idx.msk [tilespmem:v1+s20+$0xFFFFFFA0 ss:$0x1], $0xffff  }
0x5d: {  	v5 =	vld.idx.msk [tilespmem:v1+s20+$0xFFFFFFB0 ss:$0x1], $0xffff  }
0x5e: {  	v4 =	vld.idx.msk [tilespmem:v1+s20+$0xFFFFFFC0 ss:$0x1], $0xffff  }
0x5f: {  	s31 =	sshll.u32 s14, $0xE;
	v2 =	vld.idx.msk [tilespmem:v1+s20+$0xFFFFFFD0 ss:$0x1], $0xffff  }
0x60: {  	s18 =	sand.u32 $0x4000, s31;
	v3 =	vld.idx.msk [tilespmem:v1+s20+$0xFFFFFFE0 ss:$0x1], $0xffff;
	[tilespmem:v0+s20+$0x30 ss:$0x1] =	vst.idx.msk $0xffff, v6  }
0x61: {  	s21 =	simm.s32 $0x400;
	s19 =	simm.s32 $0x80;
	s18 =	sor.u32 $0x8000, s18;
	[tilespmem:v0+s20+$0xFFFFFFC0 ss:$0x1] =	vst.idx.msk $0xffff, v8;
	v6 =	vld.idx.msk [tilespmem:v1+s20+$0xFFFFFFF0 ss:$0x1], $0xffff  }
.LBB1_3:
0x62: {  	p0 =	sne.s32 s21, $0xFE00;
	v8 =	vld.idx.msk [tilespmem:v1+s19+$0x0 ss:$0x1], $0xffff;
	[tilespmem:v0+s20+$0xFFFFFFD0 ss:$0x1] =	vst.idx.msk $0xffff, v7  }
0x63: {  	v9 =	vld.idx.msk [tilespmem:v1+s19+$0xFFFFFF90 ss:$0x1], $0xffff;
	[tilespmem:v0+s20+$0xFFFFFFE0 ss:$0x1] =	vst.idx.msk $0xffff, v5  }
0x64: {  	v7 =	vld.idx.msk [tilespmem:v1+s19+$0xFFFFFFA0 ss:$0x1], $0xffff;
	[tilespmem:v0+s20+$0xFFFFFFF0 ss:$0x1] =	vst.idx.msk $0xffff, v4  }
.Ltmp3:
0x65: {  	v5 =	vld.idx.msk [tilespmem:v1+s19+$0xFFFFFFB0 ss:$0x1], $0xffff;
	[tilespmem:v0+s20+$0x0 ss:$0x1] =	vst.idx.msk $0xffff, v2;
	(pc) =	sbr.rel @p0 .LBB1_3-.Ltmp3, $4  }
0x66: {  	v4 =	vld.idx.msk [tilespmem:v1+s19+$0xFFFFFFC0 ss:$0x1], $0xffff;
	[tilespmem:v0+s20+$0x10 ss:$0x1] =	vst.idx.msk $0xffff, v3  }
0x67: {  	v2 =	vld.idx.msk [tilespmem:v1+s19+$0xFFFFFFD0 ss:$0x1], $0xffff;
	[tilespmem:v0+s20+$0x20 ss:$0x1] =	vst.idx.msk $0xffff, v6;
	s20 =	smov.u32 s19  }
0x68: {  	v3 =	vld.idx.msk [tilespmem:v1+s20+$0xFFFFFFE0 ss:$0x1], $0xffff;
	[tilespmem:v0+s20+$0x30 ss:$0x1] =	vst.idx.msk $0xffff, v8  }
0x69: {  	s19 =	sshra.s32 s21, $0x2;
	s21 =	sadd.s32 $0x200, s21;
	[tilespmem:v0+s20+$0xFFFFFFC0 ss:$0x1] =	vst.idx.msk $0xffff, v9;
	v6 =	vld.idx.msk [tilespmem:v1+s20+$0xFFFFFFF0 ss:$0x1], $0xffff  }
.Ltmp4:
0x6a: {  	_ = 	snop;
	(pc) =	sbr.rel .LBB1_4-.Ltmp4, $1  }
0x6b: {  	_ =	sdelay $0x3  }
.LBB1_6:
0x6c: {  	_ =	sfence.sel $0x180000  }
0x6d: {  	s2 =	simm.s32 $0x1;
	[bflag:$0x0] =	sbarrier.arrive $0xFFFF  }
0x6e: {  	s31 =	simm.s32 $0x2;
	[sflag:s2] =	ssyncpa.u1 $0x1  }
0x6f: {  	[sflag:s31] =	ssyncpa.u1 $0x1  }
0x70: {  	p0 =	sne.s32 s0, $0x0;
	_ =	strace $0x90000047  }
0x71: {  	s0 =	sadd.s32 @!p0 $0x100000, s1;
	[bflag:$0x2] =	sbarrier.arrive $0xFFFF  }
0x72: {  	[sflag:s0] =	ssyncadd.tile.s32 @!p0 $0x1;
	_ =	shalt  }
.Lfunc_end1:
_tile_overlayer_lowered:
.L_overlay_start_2:
0x73: {  	(tag) =	ssettag $0x2  }
0x74: {  	s0 =	rddreg [dreg:$0x0];
	s2 =	stileid.u32  }
0x75: {  	s1 =	rddreg [dreg:$0x1];
	p0 =	sne.s32 s2, $0x0  }
0x76: {  	s3 =	rddreg [dreg:$0x2];
	[bflag:$0x3] =	sbarrier.arrive $0xFFFF;
	s2 =	simm.s32 @!p0 $0x1C01  }
0x77: {  	[timem:s3], [sflag:s2] =	dma.local @!p0 [hbm:s0], s1  }
0x78: {  	s0 =	simm.s32 @!p0 $0x1  }
0x79: {  	_ =	swait.ge @!p0 [sflag:s0], s1  }
0x7a: {  	s1 =	ssub.s32 @!p0 $0x0, s1;
	[sflag:s0] =	ssyncset.done @!p0 $0x0  }
0x7b: {  	[sflag:s0] =	ssyncadd.s32 @!p0 s1  }
0x7c: {  	[bflag:$0x3] =	sbarrier.arrive $0xFFFF  }
0x7d: {  	_ =	shalt  }

</sc_bundles>
